<compile_context>
chip_gen: v7x
topology: tpu7x:2x2x1
jax: 0.10.2.dev20260603
libtpu: 0.0.44.dev20260713+nightly
codegen_flags: <defaults>
</compile_context>

<pallas_src>
import functools

import jax
import jax.numpy as jnp
from jax import lax
from jax.experimental import pallas as pl
from jax.experimental.pallas import tpu as pltpu
from jax.experimental.pallas import tpu_sc as plsc

N = 10000
E = 320000
D = 128

NC = 2
NS = 16
TILES = NC * NS
EPT = E // TILES
CH = 80
NCHUNK = EPT // CH
NP = 10240
RPT = NP // NS

BR = 1024


def _precompute_body(x_ref, pos_ref, g1_ref, g2_ref, gb_ref, m1_ref, m2_ref,
                     mb_ref, u_ref, v_ref, v1_ref, b1p_ref, c_ref):
    xb = x_ref[...]
    a1 = jnp.dot(xb, g1_ref[...], preferred_element_type=jnp.float32)
    a2 = jnp.dot(xb, g2_ref[...], preferred_element_type=jnp.float32)
    u = jnp.exp(a1)
    v = pos_ref[...].reshape(BR, 1) * jnp.exp(a2 + gb_ref[...])
    b2 = jnp.dot(xb, m2_ref[...], preferred_element_type=jnp.float32)
    u_ref[...] = u
    v_ref[...] = v
    v1_ref[...] = v.reshape(BR)
    b1p_ref[...] = (jnp.dot(xb, m1_ref[...],
                            preferred_element_type=jnp.float32) + mb_ref[...])
    c_ref[...] = v * b2


_precompute = pl.pallas_call(
    _precompute_body,
    grid=((N + BR - 1) // BR,),
    in_specs=[
        pl.BlockSpec((BR, D), lambda i: (i, 0)),
        pl.BlockSpec((BR,), lambda i: (i,)),
        pl.BlockSpec((D, 1), lambda i: (0, 0)),
        pl.BlockSpec((D, 1), lambda i: (0, 0)),
        pl.BlockSpec((1, 1), lambda i: (0, 0)),
        pl.BlockSpec((D, D), lambda i: (0, 0)),
        pl.BlockSpec((D, D), lambda i: (0, 0)),
        pl.BlockSpec((1, D), lambda i: (0, 0)),
    ],
    out_specs=[
        pl.BlockSpec((BR, 1), lambda i: (i, 0)),
        pl.BlockSpec((BR, 1), lambda i: (i, 0)),
        pl.BlockSpec((BR,), lambda i: (i,)),
        pl.BlockSpec((BR, D), lambda i: (i, 0)),
        pl.BlockSpec((BR, D), lambda i: (i, 0)),
    ],
    out_shape=[
        jax.ShapeDtypeStruct((N, 1), jnp.float32),
        jax.ShapeDtypeStruct((N, 1), jnp.float32),
        jax.ShapeDtypeStruct((N,), jnp.float32),
        jax.ShapeDtypeStruct((N, D), jnp.float32),
        jax.ShapeDtypeStruct((N, D), jnp.float32),
    ],
)


NBUF = 4
NGRP = (NCHUNK + NBUF - 1) // NBUF


def _edge_body(table_hbm, v_hbm, ei_hbm, zeros_hbm, zeros1_hbm,
               out_t, out_s,
               cidx0, cidx1, cidx2, cidx3, ridx0, ridx1, ridx2, ridx3,
               rows0, rows1, rows2, rows3, vals0, vals1, vals2, vals3,
               acc, accs, si, sg, ss, sw):
    cidx = (cidx0, cidx1, cidx2, cidx3)
    ridx = (ridx0, ridx1, ridx2, ridx3)
    rows = (rows0, rows1, rows2, rows3)
    vals = (vals0, vals1, vals2, vals3)
    c = lax.axis_index("c")
    s = lax.axis_index("s")
    wid = c * NS + s
    pltpu.sync_copy(zeros_hbm, rows0)
    row0 = s * RPT
    for i in range(RPT // CH):
        pltpu.sync_copy(rows0, acc.at[pl.ds(row0 + i * CH, CH)])
    pltpu.sync_copy(zeros1_hbm, accs.at[pl.ds(row0, RPT)])
    plsc.subcore_barrier()
    ebase = wid * EPT

    def issue_idx(k, b):
        base = ebase + k * CH
        pltpu.async_copy(ei_hbm.at[pl.ds(E + base, CH)], cidx[b], si.at[b, 0])
        pltpu.async_copy(ei_hbm.at[pl.ds(base, CH)], ridx[b], si.at[b, 1])

    def wait_idx(k, b):
        base = ebase + k * CH
        pltpu.make_async_copy(ei_hbm.at[pl.ds(E + base, CH)], cidx[b],
                              si.at[b, 0]).wait()
        pltpu.make_async_copy(ei_hbm.at[pl.ds(base, CH)], ridx[b],
                              si.at[b, 1]).wait()


    def issue_gather(b):
        pltpu.async_copy(table_hbm.at[cidx[b]], rows[b], sg.at[b, 0])
        pltpu.async_copy(v_hbm.at[cidx[b]], vals[b], sg.at[b, 1])

    def wait_gather(b):
        pltpu.make_async_copy(table_hbm.at[cidx[b]], rows[b],
                              sg.at[b, 0]).wait()
        pltpu.make_async_copy(v_hbm.at[cidx[b]], vals[b],
                                  sg.at[b, 1]).wait()

    def issue_scatter(b):
        pltpu.async_copy(rows[b], acc.at[ridx[b]], ss.at[b, 0], add=True)
        pltpu.async_copy(vals[b], accs.at[ridx[b]], ss.at[b, 1], add=True)

    def wait_scatter(b):
        pltpu.make_async_copy(rows[b], acc.at[ridx[b]], ss.at[b, 0]).wait()
        pltpu.make_async_copy(vals[b], accs.at[ridx[b]],
                                  ss.at[b, 1]).wait()

    issue_idx(0, 0)
    issue_idx(1, 1)
    issue_idx(2, 2)
    wait_idx(0, 0)
    issue_gather(0)
    wait_idx(1, 1)
    issue_gather(1)

    def group(g, carry):
        for b in range(NBUF):
            k = g * NBUF + b

            @pl.when(k < NCHUNK)
            def _():
                wait_gather(b)
                issue_scatter(b)

            b2 = (b + 2) % NBUF

            @pl.when(k + 2 < NCHUNK)
            def _():
                wait_idx(k + 2, b2)
                issue_gather(b2)

            b3 = (b + 3) % NBUF

            @pl.when(k + 3 < NCHUNK)
            def _():
                @pl.when(k >= 1)
                def _():
                    wait_scatter(b3)
                issue_idx(k + 3, b3)

        return carry

    lax.fori_loop(0, NGRP, group, 0)
    for b in range(NBUF):
        wait_scatter(b)
    plsc.subcore_barrier()
    for i in range(RPT // CH):
        sl = pl.ds(row0 + i * CH, CH)
        pltpu.async_copy(acc.at[sl], out_t.at[c, sl], sw)
    pltpu.async_copy(accs.at[pl.ds(row0, RPT)],
                     out_s.at[c, pl.ds(row0, RPT)], sw)
    for i in range(RPT // CH):
        sl = pl.ds(row0 + i * CH, CH)
        pltpu.make_async_copy(acc.at[sl], out_t.at[c, sl], sw).wait()
    pltpu.make_async_copy(accs.at[pl.ds(row0, RPT)],
                          out_s.at[c, pl.ds(row0, RPT)], sw).wait()


_edge_kernel = functools.partial(
    pl.kernel,
    out_type=[
        jax.ShapeDtypeStruct((NC, NP, D), jnp.float32),
        jax.ShapeDtypeStruct((NC, NP), jnp.float32),
    ],
    mesh=plsc.VectorSubcoreMesh(core_axis_name="c", subcore_axis_name="s",
                                num_cores=NC, num_subcores=NS),
    scratch_types=(
        [pltpu.VMEM((CH,), jnp.int32) for _ in range(2 * NBUF)]
        + [pltpu.VMEM((CH, D), jnp.float32) for _ in range(NBUF)]
        + [pltpu.VMEM((CH,), jnp.float32) for _ in range(NBUF)]
        + [
            pltpu.VMEM_SHARED((NP, D), jnp.float32),
            pltpu.VMEM_SHARED((NP,), jnp.float32),
            pltpu.SemaphoreType.DMA((NBUF, 2)),
            pltpu.SemaphoreType.DMA((NBUF, 2)),
            pltpu.SemaphoreType.DMA((NBUF, 2)),
            pltpu.SemaphoreType.DMA,
        ]
    ),
)(_edge_body)


def _combine_body(u_ref, s_ref, t0_ref, t1_ref, b1p_ref, o_ref):
    u = u_ref[...]
    rowsum = u * (s_ref[0] + s_ref[1]).reshape(BR, 1)
    t = t0_ref[0] + t1_ref[0]
    inv = 1.0 / rowsum + 1e-16
    val = inv * (rowsum * b1p_ref[...] + u * t)
    o_ref[...] = jnp.where(rowsum > 0.0, val, 0.0)


_combine = pl.pallas_call(
    _combine_body,
    grid=((N + BR - 1) // BR,),
    in_specs=[
        pl.BlockSpec((BR, 1), lambda i: (i, 0)),
        pl.BlockSpec((NC, BR), lambda i: (0, i)),
        pl.BlockSpec((1, BR, D), lambda i: (0, i, 0)),
        pl.BlockSpec((1, BR, D), lambda i: (1, i, 0)),
        pl.BlockSpec((BR, D), lambda i: (i, 0)),
    ],
    out_specs=pl.BlockSpec((BR, D), lambda i: (i, 0)),
    out_shape=jax.ShapeDtypeStruct((N, D), jnp.float32),
)


def kernel(x, pos, gate_W, gate_b, msg_W, msg_b, edge_index):
    g1 = gate_W[0, :D].reshape(D, 1)
    g2 = gate_W[0, D:].reshape(D, 1)
    m1t = msg_W[:, :D].T
    m2t = msg_W[:, D:].T
    u, v, v1, b1p, cmat = _precompute(
        x, pos, g1, g2, gate_b.reshape(1, 1), m1t, m2t,
        msg_b.reshape(1, D))
    part_t, part_s = _edge_kernel(
        cmat, v1, edge_index.reshape(2 * E),
        jnp.zeros((CH, D), jnp.float32), jnp.zeros((RPT,), jnp.float32))
    return _combine(u, part_s, part_t, part_t, b1p)

# --- scband reference (transcript-rebuilt; emitter-appended) ---
"""Pipeline reference for scband-weighted-attention-pooling-53274774340079 (READ-ONLY COPY).

The authoritative reference and input builder live on the scoring server;
editing this copy changes nothing except your own understanding.
"""

import jax, jax.numpy as jnp
import numpy as np

N = 10000
E = 320000
D = 128

def setup_inputs(seed: int = 0) -> dict:
    key = jax.random.key(seed)
    k1, k2, k3, k4, k5 = jax.random.split(key, 5)
    x = jax.random.normal(k1, (N, D), dtype=jnp.float32)
    edge_index = jax.random.randint(k2, (2, E), 0, N, dtype=jnp.int32)
    pos = jax.random.uniform(k3, (N,), dtype=jnp.float32)
    # gate_nn = Linear(2*D, 1); message_nn = Linear(2*D, D)
    gate_W = jax.random.normal(k4, (1, 2 * D), dtype=jnp.float32) * (1.0 / np.sqrt(2 * D))
    gate_b = jnp.zeros((1,), dtype=jnp.float32)
    msg_W = jax.random.normal(k5, (D, 2 * D), dtype=jnp.float32) * (1.0 / np.sqrt(2 * D))
    msg_b = jnp.zeros((D,), dtype=jnp.float32)
    return {"x": x, "pos": pos, "gate_W": gate_W, "gate_b": gate_b,
            "msg_W": msg_W, "msg_b": msg_b, "edge_index": edge_index}

def reference(x, pos, gate_W, gate_b, msg_W, msg_b, edge_index):
    row = edge_index[0]
    col = edge_index[1]
    # alpha path: gate over concatenated endpoint features
    cat = jnp.concatenate([x[row], x[col]], axis=-1)          # [E, 2D]
    alpha = cat @ gate_W.T + gate_b                            # [E, 1]
    # softmax_weights(alpha, row, pos, col)
    w = pos[col][:, None]                                      # [E, 1]
    alpha = jnp.exp(alpha)
    alpha = w * alpha
    alpha_rowsum = jax.ops.segment_sum(alpha, row, num_segments=N)   # [N, 1]
    alpha_rowsum_inv = jnp.power(alpha_rowsum, -1) + 1e-16
    alpha = alpha * alpha_rowsum_inv[row]
    # beta path: message over concatenated endpoint features
    beta = jnp.concatenate([x[row], x[col]], axis=-1) @ msg_W.T + msg_b   # [E, D]
    out = alpha * beta                                         # [E, D]
    out = jax.ops.segment_sum(out, row, num_segments=N)        # [N, D]
    return out

if __name__ == "__main__":
    import jax
    _d = setup_inputs()
    print(jax.jit(kernel)(*tuple(_d.values())))

</pallas_src>

<mosaic_0001>
#map = affine_map<(d0, d1) -> (0, 0)>
#map1 = affine_map<(d0, d1) -> (0)>
#map2 = affine_map<(d0, d1) -> (0, 0, 0)>
module attributes {stable_mosaic.version = 14 : i64} {
  func.func @_edge_body(%arg0: i32, %arg1: i32, %arg2: memref<10000x128xf32, #tpu.memory_space<hbm>>, %arg3: memref<10000xf32, #tpu.memory_space<hbm>>, %arg4: memref<640000xi32, #tpu.memory_space<hbm>>, %arg5: memref<80x128xf32, #tpu.memory_space<hbm>>, %arg6: memref<640xf32, #tpu.memory_space<hbm>>, %arg7: memref<2x10240x128xf32, #tpu.memory_space<hbm>>, %arg8: memref<2x10240xf32, #tpu.memory_space<hbm>>, %arg9: memref<80xi32, #tpu.memory_space<vmem>>, %arg10: memref<80xi32, #tpu.memory_space<vmem>>, %arg11: memref<80xi32, #tpu.memory_space<vmem>>, %arg12: memref<80xi32, #tpu.memory_space<vmem>>, %arg13: memref<80xi32, #tpu.memory_space<vmem>>, %arg14: memref<80xi32, #tpu.memory_space<vmem>>, %arg15: memref<80xi32, #tpu.memory_space<vmem>>, %arg16: memref<80xi32, #tpu.memory_space<vmem>>, %arg17: memref<80x128xf32, #tpu.memory_space<vmem>>, %arg18: memref<80x128xf32, #tpu.memory_space<vmem>>, %arg19: memref<80x128xf32, #tpu.memory_space<vmem>>, %arg20: memref<80x128xf32, #tpu.memory_space<vmem>>, %arg21: memref<80xf32, #tpu.memory_space<vmem>>, %arg22: memref<80xf32, #tpu.memory_space<vmem>>, %arg23: memref<80xf32, #tpu.memory_space<vmem>>, %arg24: memref<80xf32, #tpu.memory_space<vmem>>, %arg25: memref<10240x128xf32, #tpu.memory_space<vmem_shared>>, %arg26: memref<10240xf32, #tpu.memory_space<vmem_shared>>, %arg27: memref<4x2x!tpu.dma_semaphore, #tpu.memory_space<semaphore_mem>>, %arg28: memref<4x2x!tpu.dma_semaphore, #tpu.memory_space<semaphore_mem>>, %arg29: memref<4x2x!tpu.dma_semaphore, #tpu.memory_space<semaphore_mem>>, %arg30: memref<!tpu.dma_semaphore, #tpu.memory_space<semaphore_mem>>) attributes {dimension_semantics = [#tpu.dimension_semantics<core_parallel>, #tpu.dimension_semantics<subcore_parallel>], iteration_bounds = array<i64: 2, 16>, scalar_prefetch = 0 : i64, scratch_operands = 22 : i64, tpu.core_type = #tpu.core_type<sc_vector_subcore>, window_params = [{transform_indices = #map}, {transform_indices = #map1}, {transform_indices = #map1}, {transform_indices = #map}, {transform_indices = #map1}, {transform_indices = #map2}, {transform_indices = #map}]} {
    %mul3A = arith.constant 16 : i32
    %mul3A_0 = arith.muli %arg0, %mul3A : i32
    %add3A = arith.addi %mul3A_0, %arg1 : i32
    "tpu.region"() ({
      %run_scoped3A = tpu.sem_alloc : memref<!tpu.dma_semaphore, #tpu.memory_space<semaphore_mem>>
      tpu.enqueue_dma source(%arg5 : memref<80x128xf32, #tpu.memory_space<hbm>>) target(%arg17 : memref<80x128xf32, #tpu.memory_space<vmem>>) target_semaphore(%run_scoped3A : memref<!tpu.dma_semaphore, #tpu.memory_space<semaphore_mem>>)
      tpu.wait_dma2 semaphore(%run_scoped3A : memref<!tpu.dma_semaphore, #tpu.memory_space<semaphore_mem>>) src(%arg5 : memref<80x128xf32, #tpu.memory_space<hbm>>) dst(%arg17 : memref<80x128xf32, #tpu.memory_space<vmem>>)
      tpu.yield
    }) : () -> ()
    %mul3A_1 = arith.constant 640 : i32
    %mul3A_2 = arith.muli %arg1, %mul3A_1 : i32
    %add3A_3 = arith.constant 0 : i32
    %add3A_4 = arith.addi %mul3A_2, %add3A_3 : i32
    "tpu.region"() ({
      %run_scoped3A = tpu.sem_alloc : memref<!tpu.dma_semaphore, #tpu.memory_space<semaphore_mem>>
      %dma_start3A_301 = arith.constant 0 : i32
      %dma_start3A_302 = tpu.memref_slice %arg25[%add3A_4, %dma_start3A_301] : memref<10240x128xf32, #tpu.memory_space<vmem_shared>> -> memref<80x128xf32, #tpu.memory_space<vmem_shared>>
      %dma_start3A_303 = arith.constant 0 : i32
      %dma_start3A_304 = tpu.memref_slice %arg25[%add3A_4, %dma_start3A_303] : memref<10240x128xf32, #tpu.memory_space<vmem_shared>> -> memref<80x128xf32, #tpu.memory_space<vmem_shared>>
      tpu.enqueue_dma source(%arg17 : memref<80x128xf32, #tpu.memory_space<vmem>>) target(%dma_start3A_304 : memref<80x128xf32, #tpu.memory_space<vmem_shared>>) target_semaphore(%run_scoped3A : memref<!tpu.dma_semaphore, #tpu.memory_space<semaphore_mem>>)
      %dma_wait3A_305 = arith.constant 0 : i32
      %dma_wait3A_306 = tpu.memref_slice %arg25[%add3A_4, %dma_wait3A_305] : memref<10240x128xf32, #tpu.memory_space<vmem_shared>> -> memref<80x128xf32, #tpu.memory_space<vmem_shared>>
      %dma_wait3A_307 = arith.constant 0 : i32
      %dma_wait3A_308 = tpu.memref_slice %arg25[%add3A_4, %dma_wait3A_307] : memref<10240x128xf32, #tpu.memory_space<vmem_shared>> -> memref<80x128xf32, #tpu.memory_space<vmem_shared>>
      tpu.wait_dma2 semaphore(%run_scoped3A : memref<!tpu.dma_semaphore, #tpu.memory_space<semaphore_mem>>) src(%arg17 : memref<80x128xf32, #tpu.memory_space<vmem>>) dst(%dma_wait3A_308 : memref<80x128xf32, #tpu.memory_space<vmem_shared>>)
      tpu.yield
    }) : () -> ()
    %add3A_5 = arith.constant 80 : i32
    %add3A_6 = arith.addi %mul3A_2, %add3A_5 : i32
    "tpu.region"() ({
      %run_scoped3A = tpu.sem_alloc : memref<!tpu.dma_semaphore, #tpu.memory_space<semaphore_mem>>
      %dma_start3A_301 = arith.constant 0 : i32
      %dma_start3A_302 = tpu.memref_slice %arg25[%add3A_6, %dma_start3A_301] : memref<10240x128xf32, #tpu.memory_space<vmem_shared>> -> memref<80x128xf32, #tpu.memory_space<vmem_shared>>
      %dma_start3A_303 = arith.constant 0 : i32
      %dma_start3A_304 = tpu.memref_slice %arg25[%add3A_6, %dma_start3A_303] : memref<10240x128xf32, #tpu.memory_space<vmem_shared>> -> memref<80x128xf32, #tpu.memory_space<vmem_shared>>
      tpu.enqueue_dma source(%arg17 : memref<80x128xf32, #tpu.memory_space<vmem>>) target(%dma_start3A_304 : memref<80x128xf32, #tpu.memory_space<vmem_shared>>) target_semaphore(%run_scoped3A : memref<!tpu.dma_semaphore, #tpu.memory_space<semaphore_mem>>)
      %dma_wait3A_305 = arith.constant 0 : i32
      %dma_wait3A_306 = tpu.memref_slice %arg25[%add3A_6, %dma_wait3A_305] : memref<10240x128xf32, #tpu.memory_space<vmem_shared>> -> memref<80x128xf32, #tpu.memory_space<vmem_shared>>
      %dma_wait3A_307 = arith.constant 0 : i32
      %dma_wait3A_308 = tpu.memref_slice %arg25[%add3A_6, %dma_wait3A_307] : memref<10240x128xf32, #tpu.memory_space<vmem_shared>> -> memref<80x128xf32, #tpu.memory_space<vmem_shared>>
      tpu.wait_dma2 semaphore(%run_scoped3A : memref<!tpu.dma_semaphore, #tpu.memory_space<semaphore_mem>>) src(%arg17 : memref<80x128xf32, #tpu.memory_space<vmem>>) dst(%dma_wait3A_308 : memref<80x128xf32, #tpu.memory_space<vmem_shared>>)
      tpu.yield
    }) : () -> ()
    %add3A_7 = arith.constant 160 : i32
    %add3A_8 = arith.addi %mul3A_2, %add3A_7 : i32
    "tpu.region"() ({
      %run_scoped3A = tpu.sem_alloc : memref<!tpu.dma_semaphore, #tpu.memory_space<semaphore_mem>>
      %dma_start3A_301 = arith.constant 0 : i32
      %dma_start3A_302 = tpu.memref_slice %arg25[%add3A_8, %dma_start3A_301] : memref<10240x128xf32, #tpu.memory_space<vmem_shared>> -> memref<80x128xf32, #tpu.memory_space<vmem_shared>>
      %dma_start3A_303 = arith.constant 0 : i32
      %dma_start3A_304 = tpu.memref_slice %arg25[%add3A_8, %dma_start3A_303] : memref<10240x128xf32, #tpu.memory_space<vmem_shared>> -> memref<80x128xf32, #tpu.memory_space<vmem_shared>>
      tpu.enqueue_dma source(%arg17 : memref<80x128xf32, #tpu.memory_space<vmem>>) target(%dma_start3A_304 : memref<80x128xf32, #tpu.memory_space<vmem_shared>>) target_semaphore(%run_scoped3A : memref<!tpu.dma_semaphore, #tpu.memory_space<semaphore_mem>>)
      %dma_wait3A_305 = arith.constant 0 : i32
      %dma_wait3A_306 = tpu.memref_slice %arg25[%add3A_8, %dma_wait3A_305] : memref<10240x128xf32, #tpu.memory_space<vmem_shared>> -> memref<80x128xf32, #tpu.memory_space<vmem_shared>>
      %dma_wait3A_307 = arith.constant 0 : i32
      %dma_wait3A_308 = tpu.memref_slice %arg25[%add3A_8, %dma_wait3A_307] : memref<10240x128xf32, #tpu.memory_space<vmem_shared>> -> memref<80x128xf32, #tpu.memory_space<vmem_shared>>
      tpu.wait_dma2 semaphore(%run_scoped3A : memref<!tpu.dma_semaphore, #tpu.memory_space<semaphore_mem>>) src(%arg17 : memref<80x128xf32, #tpu.memory_space<vmem>>) dst(%dma_wait3A_308 : memref<80x128xf32, #tpu.memory_space<vmem_shared>>)
      tpu.yield
    }) : () -> ()
    %add3A_9 = arith.constant 240 : i32
    %add3A_10 = arith.addi %mul3A_2, %add3A_9 : i32
    "tpu.region"() ({
      %run_scoped3A = tpu.sem_alloc : memref<!tpu.dma_semaphore, #tpu.memory_space<semaphore_mem>>
      %dma_start3A_301 = arith.constant 0 : i32
      %dma_start3A_302 = tpu.memref_slice %arg25[%add3A_10, %dma_start3A_301] : memref<10240x128xf32, #tpu.memory_space<vmem_shared>> -> memref<80x128xf32, #tpu.memory_space<vmem_shared>>
      %dma_start3A_303 = arith.constant 0 : i32
      %dma_start3A_304 = tpu.memref_slice %arg25[%add3A_10, %dma_start3A_303] : memref<10240x128xf32, #tpu.memory_space<vmem_shared>> -> memref<80x128xf32, #tpu.memory_space<vmem_shared>>
      tpu.enqueue_dma source(%arg17 : memref<80x128xf32, #tpu.memory_space<vmem>>) target(%dma_start3A_304 : memref<80x128xf32, #tpu.memory_space<vmem_shared>>) target_semaphore(%run_scoped3A : memref<!tpu.dma_semaphore, #tpu.memory_space<semaphore_mem>>)
      %dma_wait3A_305 = arith.constant 0 : i32
      %dma_wait3A_306 = tpu.memref_slice %arg25[%add3A_10, %dma_wait3A_305] : memref<10240x128xf32, #tpu.memory_space<vmem_shared>> -> memref<80x128xf32, #tpu.memory_space<vmem_shared>>
      %dma_wait3A_307 = arith.constant 0 : i32
      %dma_wait3A_308 = tpu.memref_slice %arg25[%add3A_10, %dma_wait3A_307] : memref<10240x128xf32, #tpu.memory_space<vmem_shared>> -> memref<80x128xf32, #tpu.memory_space<vmem_shared>>
      tpu.wait_dma2 semaphore(%run_scoped3A : memref<!tpu.dma_semaphore, #tpu.memory_space<semaphore_mem>>) src(%arg17 : memref<80x128xf32, #tpu.memory_space<vmem>>) dst(%dma_wait3A_308 : memref<80x128xf32, #tpu.memory_space<vmem_shared>>)
      tpu.yield
    }) : () -> ()
    %add3A_11 = arith.constant 320 : i32
    %add3A_12 = arith.addi %mul3A_2, %add3A_11 : i32
    "tpu.region"() ({
      %run_scoped3A = tpu.sem_alloc : memref<!tpu.dma_semaphore, #tpu.memory_space<semaphore_mem>>
      %dma_start3A_301 = arith.constant 0 : i32
      %dma_start3A_302 = tpu.memref_slice %arg25[%add3A_12, %dma_start3A_301] : memref<10240x128xf32, #tpu.memory_space<vmem_shared>> -> memref<80x128xf32, #tpu.memory_space<vmem_shared>>
      %dma_start3A_303 = arith.constant 0 : i32
      %dma_start3A_304 = tpu.memref_slice %arg25[%add3A_12, %dma_start3A_303] : memref<10240x128xf32, #tpu.memory_space<vmem_shared>> -> memref<80x128xf32, #tpu.memory_space<vmem_shared>>
      tpu.enqueue_dma source(%arg17 : memref<80x128xf32, #tpu.memory_space<vmem>>) target(%dma_start3A_304 : memref<80x128xf32, #tpu.memory_space<vmem_shared>>) target_semaphore(%run_scoped3A : memref<!tpu.dma_semaphore, #tpu.memory_space<semaphore_mem>>)
      %dma_wait3A_305 = arith.constant 0 : i32
      %dma_wait3A_306 = tpu.memref_slice %arg25[%add3A_12, %dma_wait3A_305] : memref<10240x128xf32, #tpu.memory_space<vmem_shared>> -> memref<80x128xf32, #tpu.memory_space<vmem_shared>>
      %dma_wait3A_307 = arith.constant 0 : i32
      %dma_wait3A_308 = tpu.memref_slice %arg25[%add3A_12, %dma_wait3A_307] : memref<10240x128xf32, #tpu.memory_space<vmem_shared>> -> memref<80x128xf32, #tpu.memory_space<vmem_shared>>
      tpu.wait_dma2 semaphore(%run_scoped3A : memref<!tpu.dma_semaphore, #tpu.memory_space<semaphore_mem>>) src(%arg17 : memref<80x128xf32, #tpu.memory_space<vmem>>) dst(%dma_wait3A_308 : memref<80x128xf32, #tpu.memory_space<vmem_shared>>)
      tpu.yield
    }) : () -> ()
    %add3A_13 = arith.constant 400 : i32
    %add3A_14 = arith.addi %mul3A_2, %add3A_13 : i32
    "tpu.region"() ({
      %run_scoped3A = tpu.sem_alloc : memref<!tpu.dma_semaphore, #tpu.memory_space<semaphore_mem>>
      %dma_start3A_301 = arith.constant 0 : i32
      %dma_start3A_302 = tpu.memref_slice %arg25[%add3A_14, %dma_start3A_301] : memref<10240x128xf32, #tpu.memory_space<vmem_shared>> -> memref<80x128xf32, #tpu.memory_space<vmem_shared>>
      %dma_start3A_303 = arith.constant 0 : i32
      %dma_start3A_304 = tpu.memref_slice %arg25[%add3A_14, %dma_start3A_303] : memref<10240x128xf32, #tpu.memory_space<vmem_shared>> -> memref<80x128xf32, #tpu.memory_space<vmem_shared>>
      tpu.enqueue_dma source(%arg17 : memref<80x128xf32, #tpu.memory_space<vmem>>) target(%dma_start3A_304 : memref<80x128xf32, #tpu.memory_space<vmem_shared>>) target_semaphore(%run_scoped3A : memref<!tpu.dma_semaphore, #tpu.memory_space<semaphore_mem>>)
      %dma_wait3A_305 = arith.constant 0 : i32
      %dma_wait3A_306 = tpu.memref_slice %arg25[%add3A_14, %dma_wait3A_305] : memref<10240x128xf32, #tpu.memory_space<vmem_shared>> -> memref<80x128xf32, #tpu.memory_space<vmem_shared>>
      %dma_wait3A_307 = arith.constant 0 : i32
      %dma_wait3A_308 = tpu.memref_slice %arg25[%add3A_14, %dma_wait3A_307] : memref<10240x128xf32, #tpu.memory_space<vmem_shared>> -> memref<80x128xf32, #tpu.memory_space<vmem_shared>>
      tpu.wait_dma2 semaphore(%run_scoped3A : memref<!tpu.dma_semaphore, #tpu.memory_space<semaphore_mem>>) src(%arg17 : memref<80x128xf32, #tpu.memory_space<vmem>>) dst(%dma_wait3A_308 : memref<80x128xf32, #tpu.memory_space<vmem_shared>>)
      tpu.yield
    }) : () -> ()
    %add3A_15 = arith.constant 480 : i32
    %add3A_16 = arith.addi %mul3A_2, %add3A_15 : i32
    "tpu.region"() ({
      %run_scoped3A = tpu.sem_alloc : memref<!tpu.dma_semaphore, #tpu.memory_space<semaphore_mem>>
      %dma_start3A_301 = arith.constant 0 : i32
      %dma_start3A_302 = tpu.memref_slice %arg25[%add3A_16, %dma_start3A_301] : memref<10240x128xf32, #tpu.memory_space<vmem_shared>> -> memref<80x128xf32, #tpu.memory_space<vmem_shared>>
      %dma_start3A_303 = arith.constant 0 : i32
      %dma_start3A_304 = tpu.memref_slice %arg25[%add3A_16, %dma_start3A_303] : memref<10240x128xf32, #tpu.memory_space<vmem_shared>> -> memref<80x128xf32, #tpu.memory_space<vmem_shared>>
      tpu.enqueue_dma source(%arg17 : memref<80x128xf32, #tpu.memory_space<vmem>>) target(%dma_start3A_304 : memref<80x128xf32, #tpu.memory_space<vmem_shared>>) target_semaphore(%run_scoped3A : memref<!tpu.dma_semaphore, #tpu.memory_space<semaphore_mem>>)
      %dma_wait3A_305 = arith.constant 0 : i32
      %dma_wait3A_306 = tpu.memref_slice %arg25[%add3A_16, %dma_wait3A_305] : memref<10240x128xf32, #tpu.memory_space<vmem_shared>> -> memref<80x128xf32, #tpu.memory_space<vmem_shared>>
      %dma_wait3A_307 = arith.constant 0 : i32
      %dma_wait3A_308 = tpu.memref_slice %arg25[%add3A_16, %dma_wait3A_307] : memref<10240x128xf32, #tpu.memory_space<vmem_shared>> -> memref<80x128xf32, #tpu.memory_space<vmem_shared>>
      tpu.wait_dma2 semaphore(%run_scoped3A : memref<!tpu.dma_semaphore, #tpu.memory_space<semaphore_mem>>) src(%arg17 : memref<80x128xf32, #tpu.memory_space<vmem>>) dst(%dma_wait3A_308 : memref<80x128xf32, #tpu.memory_space<vmem_shared>>)
      tpu.yield
    }) : () -> ()
    %add3A_17 = arith.constant 560 : i32
    %add3A_18 = arith.addi %mul3A_2, %add3A_17 : i32
    "tpu.region"() ({
      %run_scoped3A = tpu.sem_alloc : memref<!tpu.dma_semaphore, #tpu.memory_space<semaphore_mem>>
      %dma_start3A_301 = arith.constant 0 : i32
      %dma_start3A_302 = tpu.memref_slice %arg25[%add3A_18, %dma_start3A_301] : memref<10240x128xf32, #tpu.memory_space<vmem_shared>> -> memref<80x128xf32, #tpu.memory_space<vmem_shared>>
      %dma_start3A_303 = arith.constant 0 : i32
      %dma_start3A_304 = tpu.memref_slice %arg25[%add3A_18, %dma_start3A_303] : memref<10240x128xf32, #tpu.memory_space<vmem_shared>> -> memref<80x128xf32, #tpu.memory_space<vmem_shared>>
      tpu.enqueue_dma source(%arg17 : memref<80x128xf32, #tpu.memory_space<vmem>>) target(%dma_start3A_304 : memref<80x128xf32, #tpu.memory_space<vmem_shared>>) target_semaphore(%run_scoped3A : memref<!tpu.dma_semaphore, #tpu.memory_space<semaphore_mem>>)
      %dma_wait3A_305 = arith.constant 0 : i32
      %dma_wait3A_306 = tpu.memref_slice %arg25[%add3A_18, %dma_wait3A_305] : memref<10240x128xf32, #tpu.memory_space<vmem_shared>> -> memref<80x128xf32, #tpu.memory_space<vmem_shared>>
      %dma_wait3A_307 = arith.constant 0 : i32
      %dma_wait3A_308 = tpu.memref_slice %arg25[%add3A_18, %dma_wait3A_307] : memref<10240x128xf32, #tpu.memory_space<vmem_shared>> -> memref<80x128xf32, #tpu.memory_space<vmem_shared>>
      tpu.wait_dma2 semaphore(%run_scoped3A : memref<!tpu.dma_semaphore, #tpu.memory_space<semaphore_mem>>) src(%arg17 : memref<80x128xf32, #tpu.memory_space<vmem>>) dst(%dma_wait3A_308 : memref<80x128xf32, #tpu.memory_space<vmem_shared>>)
      tpu.yield
    }) : () -> ()
    "tpu.region"() ({
      %run_scoped3A = tpu.sem_alloc : memref<!tpu.dma_semaphore, #tpu.memory_space<semaphore_mem>>
      %dma_start3A_301 = tpu.memref_slice %arg26[%mul3A_2] : memref<10240xf32, #tpu.memory_space<vmem_shared>> -> memref<640xf32, #tpu.memory_space<vmem_shared>>
      tpu.enqueue_dma source(%arg6 : memref<640xf32, #tpu.memory_space<hbm>>) target(%dma_start3A_301 : memref<640xf32, #tpu.memory_space<vmem_shared>>) target_semaphore(%run_scoped3A : memref<!tpu.dma_semaphore, #tpu.memory_space<semaphore_mem>>)
      %dma_wait3A_302 = tpu.memref_slice %arg26[%mul3A_2] : memref<10240xf32, #tpu.memory_space<vmem_shared>> -> memref<640xf32, #tpu.memory_space<vmem_shared>>
      tpu.wait_dma2 semaphore(%run_scoped3A : memref<!tpu.dma_semaphore, #tpu.memory_space<semaphore_mem>>) src(%arg6 : memref<640xf32, #tpu.memory_space<hbm>>) dst(%dma_wait3A_302 : memref<640xf32, #tpu.memory_space<vmem_shared>>)
      tpu.yield
    }) : () -> ()
    %barrier3A = arith.constant 0 : index
    tpu.barrier barrier_id(%barrier3A)
    %mul3A_19 = arith.constant 10000 : i32
    %mul3A_20 = arith.muli %add3A, %mul3A_19 : i32
    %add3A_21 = arith.constant 0 : i32
    %add3A_22 = arith.addi %mul3A_20, %add3A_21 : i32
    %add3A_23 = arith.constant 320000 : i32
    %add3A_24 = arith.addi %add3A_23, %add3A_22 : i32
    %dma_start3A = arith.constant 0 : i32
    %dma_start3A_25 = arith.constant 0 : i32
    %dma_start3A_26 = tpu.memref_slice %arg4[%add3A_24] : memref<640000xi32, #tpu.memory_space<hbm>> -> memref<80xi32, #tpu.memory_space<hbm>>
    %dma_start3A_27 = tpu.memref_slice %arg27[%dma_start3A, %dma_start3A_25] : memref<4x2x!tpu.dma_semaphore, #tpu.memory_space<semaphore_mem>> -> memref<1x1x!tpu.dma_semaphore, #tpu.memory_space<semaphore_mem>>
    %dma_start3A_28 = tpu.memref_squeeze %dma_start3A_27 : memref<1x1x!tpu.dma_semaphore, #tpu.memory_space<semaphore_mem>> -> memref<!tpu.dma_semaphore, #tpu.memory_space<semaphore_mem>>
    %dma_start3A_29 = tpu.memref_slice %arg4[%add3A_24] : memref<640000xi32, #tpu.memory_space<hbm>> -> memref<80xi32, #tpu.memory_space<hbm>>
    tpu.enqueue_dma source(%dma_start3A_29 : memref<80xi32, #tpu.memory_space<hbm>>) target(%arg9 : memref<80xi32, #tpu.memory_space<vmem>>) target_semaphore(%dma_start3A_28 : memref<!tpu.dma_semaphore, #tpu.memory_space<semaphore_mem>>)
    %dma_start3A_30 = arith.constant 0 : i32
    %dma_start3A_31 = arith.constant 1 : i32
    %dma_start3A_32 = tpu.memref_slice %arg4[%add3A_22] : memref<640000xi32, #tpu.memory_space<hbm>> -> memref<80xi32, #tpu.memory_space<hbm>>
    %dma_start3A_33 = tpu.memref_slice %arg27[%dma_start3A_30, %dma_start3A_31] : memref<4x2x!tpu.dma_semaphore, #tpu.memory_space<semaphore_mem>> -> memref<1x1x!tpu.dma_semaphore, #tpu.memory_space<semaphore_mem>>
    %dma_start3A_34 = tpu.memref_squeeze %dma_start3A_33 : memref<1x1x!tpu.dma_semaphore, #tpu.memory_space<semaphore_mem>> -> memref<!tpu.dma_semaphore, #tpu.memory_space<semaphore_mem>>
    %dma_start3A_35 = tpu.memref_slice %arg4[%add3A_22] : memref<640000xi32, #tpu.memory_space<hbm>> -> memref<80xi32, #tpu.memory_space<hbm>>
    tpu.enqueue_dma source(%dma_start3A_35 : memref<80xi32, #tpu.memory_space<hbm>>) target(%arg13 : memref<80xi32, #tpu.memory_space<vmem>>) target_semaphore(%dma_start3A_34 : memref<!tpu.dma_semaphore, #tpu.memory_space<semaphore_mem>>)
    %add3A_36 = arith.constant 80 : i32
    %add3A_37 = arith.addi %mul3A_20, %add3A_36 : i32
    %add3A_38 = arith.constant 320000 : i32
    %add3A_39 = arith.addi %add3A_38, %add3A_37 : i32
    %dma_start3A_40 = arith.constant 1 : i32
    %dma_start3A_41 = arith.constant 0 : i32
    %dma_start3A_42 = tpu.memref_slice %arg4[%add3A_39] : memref<640000xi32, #tpu.memory_space<hbm>> -> memref<80xi32, #tpu.memory_space<hbm>>
    %dma_start3A_43 = tpu.memref_slice %arg27[%dma_start3A_40, %dma_start3A_41] : memref<4x2x!tpu.dma_semaphore, #tpu.memory_space<semaphore_mem>> -> memref<1x1x!tpu.dma_semaphore, #tpu.memory_space<semaphore_mem>>
    %dma_start3A_44 = tpu.memref_squeeze %dma_start3A_43 : memref<1x1x!tpu.dma_semaphore, #tpu.memory_space<semaphore_mem>> -> memref<!tpu.dma_semaphore, #tpu.memory_space<semaphore_mem>>
    %dma_start3A_45 = tpu.memref_slice %arg4[%add3A_39] : memref<640000xi32, #tpu.memory_space<hbm>> -> memref<80xi32, #tpu.memory_space<hbm>>
    tpu.enqueue_dma source(%dma_start3A_45 : memref<80xi32, #tpu.memory_space<hbm>>) target(%arg10 : memref<80xi32, #tpu.memory_space<vmem>>) target_semaphore(%dma_start3A_44 : memref<!tpu.dma_semaphore, #tpu.memory_space<semaphore_mem>>)
    %dma_start3A_46 = arith.constant 1 : i32
    %dma_start3A_47 = arith.constant 1 : i32
    %dma_start3A_48 = tpu.memref_slice %arg4[%add3A_37] : memref<640000xi32, #tpu.memory_space<hbm>> -> memref<80xi32, #tpu.memory_space<hbm>>
    %dma_start3A_49 = tpu.memref_slice %arg27[%dma_start3A_46, %dma_start3A_47] : memref<4x2x!tpu.dma_semaphore, #tpu.memory_space<semaphore_mem>> -> memref<1x1x!tpu.dma_semaphore, #tpu.memory_space<semaphore_mem>>
    %dma_start3A_50 = tpu.memref_squeeze %dma_start3A_49 : memref<1x1x!tpu.dma_semaphore, #tpu.memory_space<semaphore_mem>> -> memref<!tpu.dma_semaphore, #tpu.memory_space<semaphore_mem>>
    %dma_start3A_51 = tpu.memref_slice %arg4[%add3A_37] : memref<640000xi32, #tpu.memory_space<hbm>> -> memref<80xi32, #tpu.memory_space<hbm>>
    tpu.enqueue_dma source(%dma_start3A_51 : memref<80xi32, #tpu.memory_space<hbm>>) target(%arg14 : memref<80xi32, #tpu.memory_space<vmem>>) target_semaphore(%dma_start3A_50 : memref<!tpu.dma_semaphore, #tpu.memory_space<semaphore_mem>>)
    %add3A_52 = arith.constant 160 : i32
    %add3A_53 = arith.addi %mul3A_20, %add3A_52 : i32
    %add3A_54 = arith.constant 320000 : i32
    %add3A_55 = arith.addi %add3A_54, %add3A_53 : i32
    %dma_start3A_56 = arith.constant 2 : i32
    %dma_start3A_57 = arith.constant 0 : i32
    %dma_start3A_58 = tpu.memref_slice %arg4[%add3A_55] : memref<640000xi32, #tpu.memory_space<hbm>> -> memref<80xi32, #tpu.memory_space<hbm>>
    %dma_start3A_59 = tpu.memref_slice %arg27[%dma_start3A_56, %dma_start3A_57] : memref<4x2x!tpu.dma_semaphore, #tpu.memory_space<semaphore_mem>> -> memref<1x1x!tpu.dma_semaphore, #tpu.memory_space<semaphore_mem>>
    %dma_start3A_60 = tpu.memref_squeeze %dma_start3A_59 : memref<1x1x!tpu.dma_semaphore, #tpu.memory_space<semaphore_mem>> -> memref<!tpu.dma_semaphore, #tpu.memory_space<semaphore_mem>>
    %dma_start3A_61 = tpu.memref_slice %arg4[%add3A_55] : memref<640000xi32, #tpu.memory_space<hbm>> -> memref<80xi32, #tpu.memory_space<hbm>>
    tpu.enqueue_dma source(%dma_start3A_61 : memref<80xi32, #tpu.memory_space<hbm>>) target(%arg11 : memref<80xi32, #tpu.memory_space<vmem>>) target_semaphore(%dma_start3A_60 : memref<!tpu.dma_semaphore, #tpu.memory_space<semaphore_mem>>)
    %dma_start3A_62 = arith.constant 2 : i32
    %dma_start3A_63 = arith.constant 1 : i32
    %dma_start3A_64 = tpu.memref_slice %arg4[%add3A_53] : memref<640000xi32, #tpu.memory_space<hbm>> -> memref<80xi32, #tpu.memory_space<hbm>>
    %dma_start3A_65 = tpu.memref_slice %arg27[%dma_start3A_62, %dma_start3A_63] : memref<4x2x!tpu.dma_semaphore, #tpu.memory_space<semaphore_mem>> -> memref<1x1x!tpu.dma_semaphore, #tpu.memory_space<semaphore_mem>>
    %dma_start3A_66 = tpu.memref_squeeze %dma_start3A_65 : memref<1x1x!tpu.dma_semaphore, #tpu.memory_space<semaphore_mem>> -> memref<!tpu.dma_semaphore, #tpu.memory_space<semaphore_mem>>
    %dma_start3A_67 = tpu.memref_slice %arg4[%add3A_53] : memref<640000xi32, #tpu.memory_space<hbm>> -> memref<80xi32, #tpu.memory_space<hbm>>
    tpu.enqueue_dma source(%dma_start3A_67 : memref<80xi32, #tpu.memory_space<hbm>>) target(%arg15 : memref<80xi32, #tpu.memory_space<vmem>>) target_semaphore(%dma_start3A_66 : memref<!tpu.dma_semaphore, #tpu.memory_space<semaphore_mem>>)
    %add3A_68 = arith.constant 0 : i32
    %add3A_69 = arith.addi %mul3A_20, %add3A_68 : i32
    %add3A_70 = arith.constant 320000 : i32
    %add3A_71 = arith.addi %add3A_70, %add3A_69 : i32
    %dma_wait3A = arith.constant 0 : i32
    %dma_wait3A_72 = arith.constant 0 : i32
    %dma_wait3A_73 = tpu.memref_slice %arg4[%add3A_71] : memref<640000xi32, #tpu.memory_space<hbm>> -> memref<80xi32, #tpu.memory_space<hbm>>
    %dma_wait3A_74 = tpu.memref_slice %arg27[%dma_wait3A, %dma_wait3A_72] : memref<4x2x!tpu.dma_semaphore, #tpu.memory_space<semaphore_mem>> -> memref<1x1x!tpu.dma_semaphore, #tpu.memory_space<semaphore_mem>>
    %dma_wait3A_75 = tpu.memref_squeeze %dma_wait3A_74 : memref<1x1x!tpu.dma_semaphore, #tpu.memory_space<semaphore_mem>> -> memref<!tpu.dma_semaphore, #tpu.memory_space<semaphore_mem>>
    %dma_wait3A_76 = tpu.memref_slice %arg4[%add3A_71] : memref<640000xi32, #tpu.memory_space<hbm>> -> memref<80xi32, #tpu.memory_space<hbm>>
    tpu.wait_dma2 semaphore(%dma_wait3A_75 : memref<!tpu.dma_semaphore, #tpu.memory_space<semaphore_mem>>) src(%dma_wait3A_76 : memref<80xi32, #tpu.memory_space<hbm>>) dst(%arg9 : memref<80xi32, #tpu.memory_space<vmem>>)
    %dma_wait3A_77 = arith.constant 0 : i32
    %dma_wait3A_78 = arith.constant 1 : i32
    %dma_wait3A_79 = tpu.memref_slice %arg4[%add3A_69] : memref<640000xi32, #tpu.memory_space<hbm>> -> memref<80xi32, #tpu.memory_space<hbm>>
    %dma_wait3A_80 = tpu.memref_slice %arg27[%dma_wait3A_77, %dma_wait3A_78] : memref<4x2x!tpu.dma_semaphore, #tpu.memory_space<semaphore_mem>> -> memref<1x1x!tpu.dma_semaphore, #tpu.memory_space<semaphore_mem>>
    %dma_wait3A_81 = tpu.memref_squeeze %dma_wait3A_80 : memref<1x1x!tpu.dma_semaphore, #tpu.memory_space<semaphore_mem>> -> memref<!tpu.dma_semaphore, #tpu.memory_space<semaphore_mem>>
    %dma_wait3A_82 = tpu.memref_slice %arg4[%add3A_69] : memref<640000xi32, #tpu.memory_space<hbm>> -> memref<80xi32, #tpu.memory_space<hbm>>
    tpu.wait_dma2 semaphore(%dma_wait3A_81 : memref<!tpu.dma_semaphore, #tpu.memory_space<semaphore_mem>>) src(%dma_wait3A_82 : memref<80xi32, #tpu.memory_space<hbm>>) dst(%arg13 : memref<80xi32, #tpu.memory_space<vmem>>)
    %dma_start3A_83 = arith.constant 0 : i32
    %dma_start3A_84 = arith.constant 0 : i32
    %dma_start3A_85 = arith.constant 0 : i32
    %dma_start3A_86 = arith.constant 0 : i32
    %dma_start3A_87 = tpu.memref_slice %arg2[%dma_start3A_85, %dma_start3A_86] : memref<10000x128xf32, #tpu.memory_space<hbm>> -> memref<10000x128xf32, #tpu.memory_space<hbm>>
    %dma_start3A_88 = tpu.memref_slice %arg28[%dma_start3A_83, %dma_start3A_84] : memref<4x2x!tpu.dma_semaphore, #tpu.memory_space<semaphore_mem>> -> memref<1x1x!tpu.dma_semaphore, #tpu.memory_space<semaphore_mem>>
    %dma_start3A_89 = tpu.memref_squeeze %dma_start3A_88 : memref<1x1x!tpu.dma_semaphore, #tpu.memory_space<semaphore_mem>> -> memref<!tpu.dma_semaphore, #tpu.memory_space<semaphore_mem>>
    tpu.enqueue_indirect_dma source(%dma_start3A_87 : memref<10000x128xf32, #tpu.memory_space<hbm>>) target(%arg17 : memref<80x128xf32, #tpu.memory_space<vmem>>) offsets(%arg9 : memref<80xi32, #tpu.memory_space<vmem>>) semaphore(%dma_start3A_89 : memref<!tpu.dma_semaphore, #tpu.memory_space<semaphore_mem>>)
    %dma_start3A_90 = arith.constant 0 : i32
    %dma_start3A_91 = arith.constant 1 : i32
    %dma_start3A_92 = arith.constant 0 : i32
    %dma_start3A_93 = tpu.memref_slice %arg3[%dma_start3A_92] : memref<10000xf32, #tpu.memory_space<hbm>> -> memref<10000xf32, #tpu.memory_space<hbm>>
    %dma_start3A_94 = tpu.memref_slice %arg28[%dma_start3A_90, %dma_start3A_91] : memref<4x2x!tpu.dma_semaphore, #tpu.memory_space<semaphore_mem>> -> memref<1x1x!tpu.dma_semaphore, #tpu.memory_space<semaphore_mem>>
    %dma_start3A_95 = tpu.memref_squeeze %dma_start3A_94 : memref<1x1x!tpu.dma_semaphore, #tpu.memory_space<semaphore_mem>> -> memref<!tpu.dma_semaphore, #tpu.memory_space<semaphore_mem>>
    tpu.enqueue_indirect_dma source(%dma_start3A_93 : memref<10000xf32, #tpu.memory_space<hbm>>) target(%arg21 : memref<80xf32, #tpu.memory_space<vmem>>) offsets(%arg9 : memref<80xi32, #tpu.memory_space<vmem>>) semaphore(%dma_start3A_95 : memref<!tpu.dma_semaphore, #tpu.memory_space<semaphore_mem>>)
    %add3A_96 = arith.constant 80 : i32
    %add3A_97 = arith.addi %mul3A_20, %add3A_96 : i32
    %add3A_98 = arith.constant 320000 : i32
    %add3A_99 = arith.addi %add3A_98, %add3A_97 : i32
    %dma_wait3A_100 = arith.constant 1 : i32
    %dma_wait3A_101 = arith.constant 0 : i32
    %dma_wait3A_102 = tpu.memref_slice %arg4[%add3A_99] : memref<640000xi32, #tpu.memory_space<hbm>> -> memref<80xi32, #tpu.memory_space<hbm>>
    %dma_wait3A_103 = tpu.memref_slice %arg27[%dma_wait3A_100, %dma_wait3A_101] : memref<4x2x!tpu.dma_semaphore, #tpu.memory_space<semaphore_mem>> -> memref<1x1x!tpu.dma_semaphore, #tpu.memory_space<semaphore_mem>>
    %dma_wait3A_104 = tpu.memref_squeeze %dma_wait3A_103 : memref<1x1x!tpu.dma_semaphore, #tpu.memory_space<semaphore_mem>> -> memref<!tpu.dma_semaphore, #tpu.memory_space<semaphore_mem>>
    %dma_wait3A_105 = tpu.memref_slice %arg4[%add3A_99] : memref<640000xi32, #tpu.memory_space<hbm>> -> memref<80xi32, #tpu.memory_space<hbm>>
    tpu.wait_dma2 semaphore(%dma_wait3A_104 : memref<!tpu.dma_semaphore, #tpu.memory_space<semaphore_mem>>) src(%dma_wait3A_105 : memref<80xi32, #tpu.memory_space<hbm>>) dst(%arg10 : memref<80xi32, #tpu.memory_space<vmem>>)
    %dma_wait3A_106 = arith.constant 1 : i32
    %dma_wait3A_107 = arith.constant 1 : i32
    %dma_wait3A_108 = tpu.memref_slice %arg4[%add3A_97] : memref<640000xi32, #tpu.memory_space<hbm>> -> memref<80xi32, #tpu.memory_space<hbm>>
    %dma_wait3A_109 = tpu.memref_slice %arg27[%dma_wait3A_106, %dma_wait3A_107] : memref<4x2x!tpu.dma_semaphore, #tpu.memory_space<semaphore_mem>> -> memref<1x1x!tpu.dma_semaphore, #tpu.memory_space<semaphore_mem>>
    %dma_wait3A_110 = tpu.memref_squeeze %dma_wait3A_109 : memref<1x1x!tpu.dma_semaphore, #tpu.memory_space<semaphore_mem>> -> memref<!tpu.dma_semaphore, #tpu.memory_space<semaphore_mem>>
    %dma_wait3A_111 = tpu.memref_slice %arg4[%add3A_97] : memref<640000xi32, #tpu.memory_space<hbm>> -> memref<80xi32, #tpu.memory_space<hbm>>
    tpu.wait_dma2 semaphore(%dma_wait3A_110 : memref<!tpu.dma_semaphore, #tpu.memory_space<semaphore_mem>>) src(%dma_wait3A_111 : memref<80xi32, #tpu.memory_space<hbm>>) dst(%arg14 : memref<80xi32, #tpu.memory_space<vmem>>)
    %dma_start3A_112 = arith.constant 1 : i32
    %dma_start3A_113 = arith.constant 0 : i32
    %dma_start3A_114 = arith.constant 0 : i32
    %dma_start3A_115 = arith.constant 0 : i32
    %dma_start3A_116 = tpu.memref_slice %arg2[%dma_start3A_114, %dma_start3A_115] : memref<10000x128xf32, #tpu.memory_space<hbm>> -> memref<10000x128xf32, #tpu.memory_space<hbm>>
    %dma_start3A_117 = tpu.memref_slice %arg28[%dma_start3A_112, %dma_start3A_113] : memref<4x2x!tpu.dma_semaphore, #tpu.memory_space<semaphore_mem>> -> memref<1x1x!tpu.dma_semaphore, #tpu.memory_space<semaphore_mem>>
    %dma_start3A_118 = tpu.memref_squeeze %dma_start3A_117 : memref<1x1x!tpu.dma_semaphore, #tpu.memory_space<semaphore_mem>> -> memref<!tpu.dma_semaphore, #tpu.memory_space<semaphore_mem>>
    tpu.enqueue_indirect_dma source(%dma_start3A_116 : memref<10000x128xf32, #tpu.memory_space<hbm>>) target(%arg18 : memref<80x128xf32, #tpu.memory_space<vmem>>) offsets(%arg10 : memref<80xi32, #tpu.memory_space<vmem>>) semaphore(%dma_start3A_118 : memref<!tpu.dma_semaphore, #tpu.memory_space<semaphore_mem>>)
    %dma_start3A_119 = arith.constant 1 : i32
    %dma_start3A_120 = arith.constant 1 : i32
    %dma_start3A_121 = arith.constant 0 : i32
    %dma_start3A_122 = tpu.memref_slice %arg3[%dma_start3A_121] : memref<10000xf32, #tpu.memory_space<hbm>> -> memref<10000xf32, #tpu.memory_space<hbm>>
    %dma_start3A_123 = tpu.memref_slice %arg28[%dma_start3A_119, %dma_start3A_120] : memref<4x2x!tpu.dma_semaphore, #tpu.memory_space<semaphore_mem>> -> memref<1x1x!tpu.dma_semaphore, #tpu.memory_space<semaphore_mem>>
    %dma_start3A_124 = tpu.memref_squeeze %dma_start3A_123 : memref<1x1x!tpu.dma_semaphore, #tpu.memory_space<semaphore_mem>> -> memref<!tpu.dma_semaphore, #tpu.memory_space<semaphore_mem>>
    tpu.enqueue_indirect_dma source(%dma_start3A_122 : memref<10000xf32, #tpu.memory_space<hbm>>) target(%arg22 : memref<80xf32, #tpu.memory_space<vmem>>) offsets(%arg10 : memref<80xi32, #tpu.memory_space<vmem>>) semaphore(%dma_start3A_124 : memref<!tpu.dma_semaphore, #tpu.memory_space<semaphore_mem>>)
    %scan3A = arith.constant 0 : i32
    %scan3A_125 = arith.constant 0 : i32
    %scan3A_126 = arith.constant 32 : i32
    %scan3A_127 = arith.addi %scan3A_125, %scan3A_126 : i32
    %scan3A_128 = arith.constant 1 : i32
    scf.for %scan3A_301 = %scan3A_125 to %scan3A_127 step %scan3A_128  : i32 {
      %mul3A_302 = arith.constant 4 : i32
      %mul3A_303 = arith.muli %scan3A_301, %mul3A_302 : i32
      %add3A_304 = arith.constant 0 : i32
      %add3A_305 = arith.addi %mul3A_303, %add3A_304 : i32
      %lt3A = arith.constant 125 : i32
      %lt3A_306 = arith.cmpi slt, %add3A_305, %lt3A : i32
      %convert_element_type3A = arith.extui %lt3A_306 : i1 to i32
      %cond3A = arith.constant 0 : i32
      %cond3A_307 = arith.cmpi ne, %convert_element_type3A, %cond3A : i32
      scf.if %cond3A_307 {
        %dma_wait3A_391 = arith.constant 0 : i32
        %dma_wait3A_392 = arith.constant 0 : i32
        %dma_wait3A_393 = arith.constant 0 : i32
        %dma_wait3A_394 = arith.constant 0 : i32
        %dma_wait3A_395 = tpu.memref_slice %arg2[%dma_wait3A_393, %dma_wait3A_394] : memref<10000x128xf32, #tpu.memory_space<hbm>> -> memref<10000x128xf32, #tpu.memory_space<hbm>>
        %dma_wait3A_396 = tpu.memref_slice %arg28[%dma_wait3A_391, %dma_wait3A_392] : memref<4x2x!tpu.dma_semaphore, #tpu.memory_space<semaphore_mem>> -> memref<1x1x!tpu.dma_semaphore, #tpu.memory_space<semaphore_mem>>
        %dma_wait3A_397 = tpu.memref_squeeze %dma_wait3A_396 : memref<1x1x!tpu.dma_semaphore, #tpu.memory_space<semaphore_mem>> -> memref<!tpu.dma_semaphore, #tpu.memory_space<semaphore_mem>>
        tpu.wait_indirect_dma semaphore(%dma_wait3A_397 : memref<!tpu.dma_semaphore, #tpu.memory_space<semaphore_mem>>) src(%dma_wait3A_395 : memref<10000x128xf32, #tpu.memory_space<hbm>>) dst(%arg17 : memref<80x128xf32, #tpu.memory_space<vmem>>)
        %dma_wait3A_398 = arith.constant 0 : i32
        %dma_wait3A_399 = arith.constant 1 : i32
        %dma_wait3A_400 = arith.constant 0 : i32
        %dma_wait3A_401 = tpu.memref_slice %arg3[%dma_wait3A_400] : memref<10000xf32, #tpu.memory_space<hbm>> -> memref<10000xf32, #tpu.memory_space<hbm>>
        %dma_wait3A_402 = tpu.memref_slice %arg28[%dma_wait3A_398, %dma_wait3A_399] : memref<4x2x!tpu.dma_semaphore, #tpu.memory_space<semaphore_mem>> -> memref<1x1x!tpu.dma_semaphore, #tpu.memory_space<semaphore_mem>>
        %dma_wait3A_403 = tpu.memref_squeeze %dma_wait3A_402 : memref<1x1x!tpu.dma_semaphore, #tpu.memory_space<semaphore_mem>> -> memref<!tpu.dma_semaphore, #tpu.memory_space<semaphore_mem>>
        tpu.wait_indirect_dma semaphore(%dma_wait3A_403 : memref<!tpu.dma_semaphore, #tpu.memory_space<semaphore_mem>>) src(%dma_wait3A_401 : memref<10000xf32, #tpu.memory_space<hbm>>) dst(%arg21 : memref<80xf32, #tpu.memory_space<vmem>>)
        %dma_start3A_404 = arith.constant 0 : i32
        %dma_start3A_405 = arith.constant 0 : i32
        %dma_start3A_406 = arith.constant 0 : i32
        %dma_start3A_407 = arith.constant 0 : i32
        %dma_start3A_408 = tpu.memref_slice %arg25[%dma_start3A_406, %dma_start3A_407] : memref<10240x128xf32, #tpu.memory_space<vmem_shared>> -> memref<10240x128xf32, #tpu.memory_space<vmem_shared>>
        %dma_start3A_409 = tpu.memref_slice %arg29[%dma_start3A_404, %dma_start3A_405] : memref<4x2x!tpu.dma_semaphore, #tpu.memory_space<semaphore_mem>> -> memref<1x1x!tpu.dma_semaphore, #tpu.memory_space<semaphore_mem>>
        %dma_start3A_410 = tpu.memref_squeeze %dma_start3A_409 : memref<1x1x!tpu.dma_semaphore, #tpu.memory_space<semaphore_mem>> -> memref<!tpu.dma_semaphore, #tpu.memory_space<semaphore_mem>>
        tpu.enqueue_indirect_dma source(%arg17 : memref<80x128xf32, #tpu.memory_space<vmem>>) target(%dma_start3A_408 : memref<10240x128xf32, #tpu.memory_space<vmem_shared>>) offsets(%arg13 : memref<80xi32, #tpu.memory_space<vmem>>) semaphore(%dma_start3A_410 : memref<!tpu.dma_semaphore, #tpu.memory_space<semaphore_mem>>) {add = true}
        %dma_start3A_411 = arith.constant 0 : i32
        %dma_start3A_412 = arith.constant 1 : i32
        %dma_start3A_413 = arith.constant 0 : i32
        %dma_start3A_414 = tpu.memref_slice %arg26[%dma_start3A_413] : memref<10240xf32, #tpu.memory_space<vmem_shared>> -> memref<10240xf32, #tpu.memory_space<vmem_shared>>
        %dma_start3A_415 = tpu.memref_slice %arg29[%dma_start3A_411, %dma_start3A_412] : memref<4x2x!tpu.dma_semaphore, #tpu.memory_space<semaphore_mem>> -> memref<1x1x!tpu.dma_semaphore, #tpu.memory_space<semaphore_mem>>
        %dma_start3A_416 = tpu.memref_squeeze %dma_start3A_415 : memref<1x1x!tpu.dma_semaphore, #tpu.memory_space<semaphore_mem>> -> memref<!tpu.dma_semaphore, #tpu.memory_space<semaphore_mem>>
        tpu.enqueue_indirect_dma source(%arg21 : memref<80xf32, #tpu.memory_space<vmem>>) target(%dma_start3A_414 : memref<10240xf32, #tpu.memory_space<vmem_shared>>) offsets(%arg13 : memref<80xi32, #tpu.memory_space<vmem>>) semaphore(%dma_start3A_416 : memref<!tpu.dma_semaphore, #tpu.memory_space<semaphore_mem>>) {add = true}
      } else {
      }
      %add3A_308 = arith.constant 2 : i32
      %add3A_309 = arith.addi %add3A_305, %add3A_308 : i32
      %lt3A_310 = arith.constant 125 : i32
      %lt3A_311 = arith.cmpi slt, %add3A_309, %lt3A_310 : i32
      %convert_element_type3A_312 = arith.extui %lt3A_311 : i1 to i32
      %cond3A_313 = arith.constant 0 : i32
      %cond3A_314 = arith.cmpi ne, %convert_element_type3A_312, %cond3A_313 : i32
      scf.if %cond3A_314 {
        %add3A_391 = arith.constant 2 : i32
        %add3A_392 = arith.addi %add3A_305, %add3A_391 : i32
        %mul3A_393 = arith.constant 80 : i32
        %mul3A_394 = arith.muli %add3A_392, %mul3A_393 : i32
        %add3A_395 = arith.addi %mul3A_20, %mul3A_394 : i32
        %add3A_396 = arith.constant 320000 : i32
        %add3A_397 = arith.addi %add3A_396, %add3A_395 : i32
        %dma_wait3A_398 = arith.constant 2 : i32
        %dma_wait3A_399 = arith.constant 0 : i32
        %dma_wait3A_400 = tpu.memref_slice %arg4[%add3A_397] : memref<640000xi32, #tpu.memory_space<hbm>> -> memref<80xi32, #tpu.memory_space<hbm>>
        %dma_wait3A_401 = tpu.memref_slice %arg27[%dma_wait3A_398, %dma_wait3A_399] : memref<4x2x!tpu.dma_semaphore, #tpu.memory_space<semaphore_mem>> -> memref<1x1x!tpu.dma_semaphore, #tpu.memory_space<semaphore_mem>>
        %dma_wait3A_402 = tpu.memref_squeeze %dma_wait3A_401 : memref<1x1x!tpu.dma_semaphore, #tpu.memory_space<semaphore_mem>> -> memref<!tpu.dma_semaphore, #tpu.memory_space<semaphore_mem>>
        %dma_wait3A_403 = tpu.memref_slice %arg4[%add3A_397] : memref<640000xi32, #tpu.memory_space<hbm>> -> memref<80xi32, #tpu.memory_space<hbm>>
        tpu.wait_dma2 semaphore(%dma_wait3A_402 : memref<!tpu.dma_semaphore, #tpu.memory_space<semaphore_mem>>) src(%dma_wait3A_403 : memref<80xi32, #tpu.memory_space<hbm>>) dst(%arg11 : memref<80xi32, #tpu.memory_space<vmem>>)
        %dma_wait3A_404 = arith.constant 2 : i32
        %dma_wait3A_405 = arith.constant 1 : i32
        %dma_wait3A_406 = tpu.memref_slice %arg4[%add3A_395] : memref<640000xi32, #tpu.memory_space<hbm>> -> memref<80xi32, #tpu.memory_space<hbm>>
        %dma_wait3A_407 = tpu.memref_slice %arg27[%dma_wait3A_404, %dma_wait3A_405] : memref<4x2x!tpu.dma_semaphore, #tpu.memory_space<semaphore_mem>> -> memref<1x1x!tpu.dma_semaphore, #tpu.memory_space<semaphore_mem>>
        %dma_wait3A_408 = tpu.memref_squeeze %dma_wait3A_407 : memref<1x1x!tpu.dma_semaphore, #tpu.memory_space<semaphore_mem>> -> memref<!tpu.dma_semaphore, #tpu.memory_space<semaphore_mem>>
        %dma_wait3A_409 = tpu.memref_slice %arg4[%add3A_395] : memref<640000xi32, #tpu.memory_space<hbm>> -> memref<80xi32, #tpu.memory_space<hbm>>
        tpu.wait_dma2 semaphore(%dma_wait3A_408 : memref<!tpu.dma_semaphore, #tpu.memory_space<semaphore_mem>>) src(%dma_wait3A_409 : memref<80xi32, #tpu.memory_space<hbm>>) dst(%arg15 : memref<80xi32, #tpu.memory_space<vmem>>)
        %dma_start3A_410 = arith.constant 2 : i32
        %dma_start3A_411 = arith.constant 0 : i32
        %dma_start3A_412 = arith.constant 0 : i32
        %dma_start3A_413 = arith.constant 0 : i32
        %dma_start3A_414 = tpu.memref_slice %arg2[%dma_start3A_412, %dma_start3A_413] : memref<10000x128xf32, #tpu.memory_space<hbm>> -> memref<10000x128xf32, #tpu.memory_space<hbm>>
        %dma_start3A_415 = tpu.memref_slice %arg28[%dma_start3A_410, %dma_start3A_411] : memref<4x2x!tpu.dma_semaphore, #tpu.memory_space<semaphore_mem>> -> memref<1x1x!tpu.dma_semaphore, #tpu.memory_space<semaphore_mem>>
        %dma_start3A_416 = tpu.memref_squeeze %dma_start3A_415 : memref<1x1x!tpu.dma_semaphore, #tpu.memory_space<semaphore_mem>> -> memref<!tpu.dma_semaphore, #tpu.memory_space<semaphore_mem>>
        tpu.enqueue_indirect_dma source(%dma_start3A_414 : memref<10000x128xf32, #tpu.memory_space<hbm>>) target(%arg19 : memref<80x128xf32, #tpu.memory_space<vmem>>) offsets(%arg11 : memref<80xi32, #tpu.memory_space<vmem>>) semaphore(%dma_start3A_416 : memref<!tpu.dma_semaphore, #tpu.memory_space<semaphore_mem>>)
        %dma_start3A_417 = arith.constant 2 : i32
        %dma_start3A_418 = arith.constant 1 : i32
        %dma_start3A_419 = arith.constant 0 : i32
        %dma_start3A_420 = tpu.memref_slice %arg3[%dma_start3A_419] : memref<10000xf32, #tpu.memory_space<hbm>> -> memref<10000xf32, #tpu.memory_space<hbm>>
        %dma_start3A_421 = tpu.memref_slice %arg28[%dma_start3A_417, %dma_start3A_418] : memref<4x2x!tpu.dma_semaphore, #tpu.memory_space<semaphore_mem>> -> memref<1x1x!tpu.dma_semaphore, #tpu.memory_space<semaphore_mem>>
        %dma_start3A_422 = tpu.memref_squeeze %dma_start3A_421 : memref<1x1x!tpu.dma_semaphore, #tpu.memory_space<semaphore_mem>> -> memref<!tpu.dma_semaphore, #tpu.memory_space<semaphore_mem>>
        tpu.enqueue_indirect_dma source(%dma_start3A_420 : memref<10000xf32, #tpu.memory_space<hbm>>) target(%arg23 : memref<80xf32, #tpu.memory_space<vmem>>) offsets(%arg11 : memref<80xi32, #tpu.memory_space<vmem>>) semaphore(%dma_start3A_422 : memref<!tpu.dma_semaphore, #tpu.memory_space<semaphore_mem>>)
      } else {
      }
      %add3A_315 = arith.constant 3 : i32
      %add3A_316 = arith.addi %add3A_305, %add3A_315 : i32
      %lt3A_317 = arith.constant 125 : i32
      %lt3A_318 = arith.cmpi slt, %add3A_316, %lt3A_317 : i32
      %convert_element_type3A_319 = arith.extui %lt3A_318 : i1 to i32
      %cond3A_320 = arith.constant 0 : i32
      %cond3A_321 = arith.cmpi ne, %convert_element_type3A_319, %cond3A_320 : i32
      scf.if %cond3A_321 {
        %ge3A = arith.constant 1 : i32
        %ge3A_391 = arith.cmpi sge, %add3A_305, %ge3A : i32
        %convert_element_type3A_392 = arith.extui %ge3A_391 : i1 to i32
        %cond3A_393 = arith.constant 0 : i32
        %cond3A_394 = arith.cmpi ne, %convert_element_type3A_392, %cond3A_393 : i32
        scf.if %cond3A_394 {
          %dma_wait3A_414 = arith.constant 3 : i32
          %dma_wait3A_415 = arith.constant 0 : i32
          %dma_wait3A_416 = arith.constant 0 : i32
          %dma_wait3A_417 = arith.constant 0 : i32
          %dma_wait3A_418 = tpu.memref_slice %arg25[%dma_wait3A_416, %dma_wait3A_417] : memref<10240x128xf32, #tpu.memory_space<vmem_shared>> -> memref<10240x128xf32, #tpu.memory_space<vmem_shared>>
          %dma_wait3A_419 = tpu.memref_slice %arg29[%dma_wait3A_414, %dma_wait3A_415] : memref<4x2x!tpu.dma_semaphore, #tpu.memory_space<semaphore_mem>> -> memref<1x1x!tpu.dma_semaphore, #tpu.memory_space<semaphore_mem>>
          %dma_wait3A_420 = tpu.memref_squeeze %dma_wait3A_419 : memref<1x1x!tpu.dma_semaphore, #tpu.memory_space<semaphore_mem>> -> memref<!tpu.dma_semaphore, #tpu.memory_space<semaphore_mem>>
          tpu.wait_indirect_dma semaphore(%dma_wait3A_420 : memref<!tpu.dma_semaphore, #tpu.memory_space<semaphore_mem>>) src(%arg20 : memref<80x128xf32, #tpu.memory_space<vmem>>) dst(%dma_wait3A_418 : memref<10240x128xf32, #tpu.memory_space<vmem_shared>>)
          %dma_wait3A_421 = arith.constant 3 : i32
          %dma_wait3A_422 = arith.constant 1 : i32
          %dma_wait3A_423 = arith.constant 0 : i32
          %dma_wait3A_424 = tpu.memref_slice %arg26[%dma_wait3A_423] : memref<10240xf32, #tpu.memory_space<vmem_shared>> -> memref<10240xf32, #tpu.memory_space<vmem_shared>>
          %dma_wait3A_425 = tpu.memref_slice %arg29[%dma_wait3A_421, %dma_wait3A_422] : memref<4x2x!tpu.dma_semaphore, #tpu.memory_space<semaphore_mem>> -> memref<1x1x!tpu.dma_semaphore, #tpu.memory_space<semaphore_mem>>
          %dma_wait3A_426 = tpu.memref_squeeze %dma_wait3A_425 : memref<1x1x!tpu.dma_semaphore, #tpu.memory_space<semaphore_mem>> -> memref<!tpu.dma_semaphore, #tpu.memory_space<semaphore_mem>>
          tpu.wait_indirect_dma semaphore(%dma_wait3A_426 : memref<!tpu.dma_semaphore, #tpu.memory_space<semaphore_mem>>) src(%arg24 : memref<80xf32, #tpu.memory_space<vmem>>) dst(%dma_wait3A_424 : memref<10240xf32, #tpu.memory_space<vmem_shared>>)
        } else {
        }
        %add3A_395 = arith.constant 3 : i32
        %add3A_396 = arith.addi %add3A_305, %add3A_395 : i32
        %mul3A_397 = arith.constant 80 : i32
        %mul3A_398 = arith.muli %add3A_396, %mul3A_397 : i32
        %add3A_399 = arith.addi %mul3A_20, %mul3A_398 : i32
        %add3A_400 = arith.constant 320000 : i32
        %add3A_401 = arith.addi %add3A_400, %add3A_399 : i32
        %dma_start3A_402 = arith.constant 3 : i32
        %dma_start3A_403 = arith.constant 0 : i32
        %dma_start3A_404 = tpu.memref_slice %arg4[%add3A_401] : memref<640000xi32, #tpu.memory_space<hbm>> -> memref<80xi32, #tpu.memory_space<hbm>>
        %dma_start3A_405 = tpu.memref_slice %arg27[%dma_start3A_402, %dma_start3A_403] : memref<4x2x!tpu.dma_semaphore, #tpu.memory_space<semaphore_mem>> -> memref<1x1x!tpu.dma_semaphore, #tpu.memory_space<semaphore_mem>>
        %dma_start3A_406 = tpu.memref_squeeze %dma_start3A_405 : memref<1x1x!tpu.dma_semaphore, #tpu.memory_space<semaphore_mem>> -> memref<!tpu.dma_semaphore, #tpu.memory_space<semaphore_mem>>
        %dma_start3A_407 = tpu.memref_slice %arg4[%add3A_401] : memref<640000xi32, #tpu.memory_space<hbm>> -> memref<80xi32, #tpu.memory_space<hbm>>
        tpu.enqueue_dma source(%dma_start3A_407 : memref<80xi32, #tpu.memory_space<hbm>>) target(%arg12 : memref<80xi32, #tpu.memory_space<vmem>>) target_semaphore(%dma_start3A_406 : memref<!tpu.dma_semaphore, #tpu.memory_space<semaphore_mem>>)
        %dma_start3A_408 = arith.constant 3 : i32
        %dma_start3A_409 = arith.constant 1 : i32
        %dma_start3A_410 = tpu.memref_slice %arg4[%add3A_399] : memref<640000xi32, #tpu.memory_space<hbm>> -> memref<80xi32, #tpu.memory_space<hbm>>
        %dma_start3A_411 = tpu.memref_slice %arg27[%dma_start3A_408, %dma_start3A_409] : memref<4x2x!tpu.dma_semaphore, #tpu.memory_space<semaphore_mem>> -> memref<1x1x!tpu.dma_semaphore, #tpu.memory_space<semaphore_mem>>
        %dma_start3A_412 = tpu.memref_squeeze %dma_start3A_411 : memref<1x1x!tpu.dma_semaphore, #tpu.memory_space<semaphore_mem>> -> memref<!tpu.dma_semaphore, #tpu.memory_space<semaphore_mem>>
        %dma_start3A_413 = tpu.memref_slice %arg4[%add3A_399] : memref<640000xi32, #tpu.memory_space<hbm>> -> memref<80xi32, #tpu.memory_space<hbm>>
        tpu.enqueue_dma source(%dma_start3A_413 : memref<80xi32, #tpu.memory_space<hbm>>) target(%arg16 : memref<80xi32, #tpu.memory_space<vmem>>) target_semaphore(%dma_start3A_412 : memref<!tpu.dma_semaphore, #tpu.memory_space<semaphore_mem>>)
      } else {
      }
      %mul3A_322 = arith.constant 4 : i32
      %mul3A_323 = arith.muli %scan3A_301, %mul3A_322 : i32
      %add3A_324 = arith.constant 1 : i32
      %add3A_325 = arith.addi %mul3A_323, %add3A_324 : i32
      %lt3A_326 = arith.constant 125 : i32
      %lt3A_327 = arith.cmpi slt, %add3A_325, %lt3A_326 : i32
      %convert_element_type3A_328 = arith.extui %lt3A_327 : i1 to i32
      %cond3A_329 = arith.constant 0 : i32
      %cond3A_330 = arith.cmpi ne, %convert_element_type3A_328, %cond3A_329 : i32
      scf.if %cond3A_330 {
        %dma_wait3A_391 = arith.constant 1 : i32
        %dma_wait3A_392 = arith.constant 0 : i32
        %dma_wait3A_393 = arith.constant 0 : i32
        %dma_wait3A_394 = arith.constant 0 : i32
        %dma_wait3A_395 = tpu.memref_slice %arg2[%dma_wait3A_393, %dma_wait3A_394] : memref<10000x128xf32, #tpu.memory_space<hbm>> -> memref<10000x128xf32, #tpu.memory_space<hbm>>
        %dma_wait3A_396 = tpu.memref_slice %arg28[%dma_wait3A_391, %dma_wait3A_392] : memref<4x2x!tpu.dma_semaphore, #tpu.memory_space<semaphore_mem>> -> memref<1x1x!tpu.dma_semaphore, #tpu.memory_space<semaphore_mem>>
        %dma_wait3A_397 = tpu.memref_squeeze %dma_wait3A_396 : memref<1x1x!tpu.dma_semaphore, #tpu.memory_space<semaphore_mem>> -> memref<!tpu.dma_semaphore, #tpu.memory_space<semaphore_mem>>
        tpu.wait_indirect_dma semaphore(%dma_wait3A_397 : memref<!tpu.dma_semaphore, #tpu.memory_space<semaphore_mem>>) src(%dma_wait3A_395 : memref<10000x128xf32, #tpu.memory_space<hbm>>) dst(%arg18 : memref<80x128xf32, #tpu.memory_space<vmem>>)
        %dma_wait3A_398 = arith.constant 1 : i32
        %dma_wait3A_399 = arith.constant 1 : i32
        %dma_wait3A_400 = arith.constant 0 : i32
        %dma_wait3A_401 = tpu.memref_slice %arg3[%dma_wait3A_400] : memref<10000xf32, #tpu.memory_space<hbm>> -> memref<10000xf32, #tpu.memory_space<hbm>>
        %dma_wait3A_402 = tpu.memref_slice %arg28[%dma_wait3A_398, %dma_wait3A_399] : memref<4x2x!tpu.dma_semaphore, #tpu.memory_space<semaphore_mem>> -> memref<1x1x!tpu.dma_semaphore, #tpu.memory_space<semaphore_mem>>
        %dma_wait3A_403 = tpu.memref_squeeze %dma_wait3A_402 : memref<1x1x!tpu.dma_semaphore, #tpu.memory_space<semaphore_mem>> -> memref<!tpu.dma_semaphore, #tpu.memory_space<semaphore_mem>>
        tpu.wait_indirect_dma semaphore(%dma_wait3A_403 : memref<!tpu.dma_semaphore, #tpu.memory_space<semaphore_mem>>) src(%dma_wait3A_401 : memref<10000xf32, #tpu.memory_space<hbm>>) dst(%arg22 : memref<80xf32, #tpu.memory_space<vmem>>)
        %dma_start3A_404 = arith.constant 1 : i32
        %dma_start3A_405 = arith.constant 0 : i32
        %dma_start3A_406 = arith.constant 0 : i32
        %dma_start3A_407 = arith.constant 0 : i32
        %dma_start3A_408 = tpu.memref_slice %arg25[%dma_start3A_406, %dma_start3A_407] : memref<10240x128xf32, #tpu.memory_space<vmem_shared>> -> memref<10240x128xf32, #tpu.memory_space<vmem_shared>>
        %dma_start3A_409 = tpu.memref_slice %arg29[%dma_start3A_404, %dma_start3A_405] : memref<4x2x!tpu.dma_semaphore, #tpu.memory_space<semaphore_mem>> -> memref<1x1x!tpu.dma_semaphore, #tpu.memory_space<semaphore_mem>>
        %dma_start3A_410 = tpu.memref_squeeze %dma_start3A_409 : memref<1x1x!tpu.dma_semaphore, #tpu.memory_space<semaphore_mem>> -> memref<!tpu.dma_semaphore, #tpu.memory_space<semaphore_mem>>
        tpu.enqueue_indirect_dma source(%arg18 : memref<80x128xf32, #tpu.memory_space<vmem>>) target(%dma_start3A_408 : memref<10240x128xf32, #tpu.memory_space<vmem_shared>>) offsets(%arg14 : memref<80xi32, #tpu.memory_space<vmem>>) semaphore(%dma_start3A_410 : memref<!tpu.dma_semaphore, #tpu.memory_space<semaphore_mem>>) {add = true}
        %dma_start3A_411 = arith.constant 1 : i32
        %dma_start3A_412 = arith.constant 1 : i32
        %dma_start3A_413 = arith.constant 0 : i32
        %dma_start3A_414 = tpu.memref_slice %arg26[%dma_start3A_413] : memref<10240xf32, #tpu.memory_space<vmem_shared>> -> memref<10240xf32, #tpu.memory_space<vmem_shared>>
        %dma_start3A_415 = tpu.memref_slice %arg29[%dma_start3A_411, %dma_start3A_412] : memref<4x2x!tpu.dma_semaphore, #tpu.memory_space<semaphore_mem>> -> memref<1x1x!tpu.dma_semaphore, #tpu.memory_space<semaphore_mem>>
        %dma_start3A_416 = tpu.memref_squeeze %dma_start3A_415 : memref<1x1x!tpu.dma_semaphore, #tpu.memory_space<semaphore_mem>> -> memref<!tpu.dma_semaphore, #tpu.memory_space<semaphore_mem>>
        tpu.enqueue_indirect_dma source(%arg22 : memref<80xf32, #tpu.memory_space<vmem>>) target(%dma_start3A_414 : memref<10240xf32, #tpu.memory_space<vmem_shared>>) offsets(%arg14 : memref<80xi32, #tpu.memory_space<vmem>>) semaphore(%dma_start3A_416 : memref<!tpu.dma_semaphore, #tpu.memory_space<semaphore_mem>>) {add = true}
      } else {
      }
      %add3A_331 = arith.constant 2 : i32
      %add3A_332 = arith.addi %add3A_325, %add3A_331 : i32
      %lt3A_333 = arith.constant 125 : i32
      %lt3A_334 = arith.cmpi slt, %add3A_332, %lt3A_333 : i32
      %convert_element_type3A_335 = arith.extui %lt3A_334 : i1 to i32
      %cond3A_336 = arith.constant 0 : i32
      %cond3A_337 = arith.cmpi ne, %convert_element_type3A_335, %cond3A_336 : i32
      scf.if %cond3A_337 {
        %add3A_391 = arith.constant 2 : i32
        %add3A_392 = arith.addi %add3A_325, %add3A_391 : i32
        %mul3A_393 = arith.constant 80 : i32
        %mul3A_394 = arith.muli %add3A_392, %mul3A_393 : i32
        %add3A_395 = arith.addi %mul3A_20, %mul3A_394 : i32
        %add3A_396 = arith.constant 320000 : i32
        %add3A_397 = arith.addi %add3A_396, %add3A_395 : i32
        %dma_wait3A_398 = arith.constant 3 : i32
        %dma_wait3A_399 = arith.constant 0 : i32
        %dma_wait3A_400 = tpu.memref_slice %arg4[%add3A_397] : memref<640000xi32, #tpu.memory_space<hbm>> -> memref<80xi32, #tpu.memory_space<hbm>>
        %dma_wait3A_401 = tpu.memref_slice %arg27[%dma_wait3A_398, %dma_wait3A_399] : memref<4x2x!tpu.dma_semaphore, #tpu.memory_space<semaphore_mem>> -> memref<1x1x!tpu.dma_semaphore, #tpu.memory_space<semaphore_mem>>
        %dma_wait3A_402 = tpu.memref_squeeze %dma_wait3A_401 : memref<1x1x!tpu.dma_semaphore, #tpu.memory_space<semaphore_mem>> -> memref<!tpu.dma_semaphore, #tpu.memory_space<semaphore_mem>>
        %dma_wait3A_403 = tpu.memref_slice %arg4[%add3A_397] : memref<640000xi32, #tpu.memory_space<hbm>> -> memref<80xi32, #tpu.memory_space<hbm>>
        tpu.wait_dma2 semaphore(%dma_wait3A_402 : memref<!tpu.dma_semaphore, #tpu.memory_space<semaphore_mem>>) src(%dma_wait3A_403 : memref<80xi32, #tpu.memory_space<hbm>>) dst(%arg12 : memref<80xi32, #tpu.memory_space<vmem>>)
        %dma_wait3A_404 = arith.constant 3 : i32
        %dma_wait3A_405 = arith.constant 1 : i32
        %dma_wait3A_406 = tpu.memref_slice %arg4[%add3A_395] : memref<640000xi32, #tpu.memory_space<hbm>> -> memref<80xi32, #tpu.memory_space<hbm>>
        %dma_wait3A_407 = tpu.memref_slice %arg27[%dma_wait3A_404, %dma_wait3A_405] : memref<4x2x!tpu.dma_semaphore, #tpu.memory_space<semaphore_mem>> -> memref<1x1x!tpu.dma_semaphore, #tpu.memory_space<semaphore_mem>>
        %dma_wait3A_408 = tpu.memref_squeeze %dma_wait3A_407 : memref<1x1x!tpu.dma_semaphore, #tpu.memory_space<semaphore_mem>> -> memref<!tpu.dma_semaphore, #tpu.memory_space<semaphore_mem>>
        %dma_wait3A_409 = tpu.memref_slice %arg4[%add3A_395] : memref<640000xi32, #tpu.memory_space<hbm>> -> memref<80xi32, #tpu.memory_space<hbm>>
        tpu.wait_dma2 semaphore(%dma_wait3A_408 : memref<!tpu.dma_semaphore, #tpu.memory_space<semaphore_mem>>) src(%dma_wait3A_409 : memref<80xi32, #tpu.memory_space<hbm>>) dst(%arg16 : memref<80xi32, #tpu.memory_space<vmem>>)
        %dma_start3A_410 = arith.constant 3 : i32
        %dma_start3A_411 = arith.constant 0 : i32
        %dma_start3A_412 = arith.constant 0 : i32
        %dma_start3A_413 = arith.constant 0 : i32
        %dma_start3A_414 = tpu.memref_slice %arg2[%dma_start3A_412, %dma_start3A_413] : memref<10000x128xf32, #tpu.memory_space<hbm>> -> memref<10000x128xf32, #tpu.memory_space<hbm>>
        %dma_start3A_415 = tpu.memref_slice %arg28[%dma_start3A_410, %dma_start3A_411] : memref<4x2x!tpu.dma_semaphore, #tpu.memory_space<semaphore_mem>> -> memref<1x1x!tpu.dma_semaphore, #tpu.memory_space<semaphore_mem>>
        %dma_start3A_416 = tpu.memref_squeeze %dma_start3A_415 : memref<1x1x!tpu.dma_semaphore, #tpu.memory_space<semaphore_mem>> -> memref<!tpu.dma_semaphore, #tpu.memory_space<semaphore_mem>>
        tpu.enqueue_indirect_dma source(%dma_start3A_414 : memref<10000x128xf32, #tpu.memory_space<hbm>>) target(%arg20 : memref<80x128xf32, #tpu.memory_space<vmem>>) offsets(%arg12 : memref<80xi32, #tpu.memory_space<vmem>>) semaphore(%dma_start3A_416 : memref<!tpu.dma_semaphore, #tpu.memory_space<semaphore_mem>>)
        %dma_start3A_417 = arith.constant 3 : i32
        %dma_start3A_418 = arith.constant 1 : i32
        %dma_start3A_419 = arith.constant 0 : i32
        %dma_start3A_420 = tpu.memref_slice %arg3[%dma_start3A_419] : memref<10000xf32, #tpu.memory_space<hbm>> -> memref<10000xf32, #tpu.memory_space<hbm>>
        %dma_start3A_421 = tpu.memref_slice %arg28[%dma_start3A_417, %dma_start3A_418] : memref<4x2x!tpu.dma_semaphore, #tpu.memory_space<semaphore_mem>> -> memref<1x1x!tpu.dma_semaphore, #tpu.memory_space<semaphore_mem>>
        %dma_start3A_422 = tpu.memref_squeeze %dma_start3A_421 : memref<1x1x!tpu.dma_semaphore, #tpu.memory_space<semaphore_mem>> -> memref<!tpu.dma_semaphore, #tpu.memory_space<semaphore_mem>>
        tpu.enqueue_indirect_dma source(%dma_start3A_420 : memref<10000xf32, #tpu.memory_space<hbm>>) target(%arg24 : memref<80xf32, #tpu.memory_space<vmem>>) offsets(%arg12 : memref<80xi32, #tpu.memory_space<vmem>>) semaphore(%dma_start3A_422 : memref<!tpu.dma_semaphore, #tpu.memory_space<semaphore_mem>>)
      } else {
      }
      %add3A_338 = arith.constant 3 : i32
      %add3A_339 = arith.addi %add3A_325, %add3A_338 : i32
      %lt3A_340 = arith.constant 125 : i32
      %lt3A_341 = arith.cmpi slt, %add3A_339, %lt3A_340 : i32
      %convert_element_type3A_342 = arith.extui %lt3A_341 : i1 to i32
      %cond3A_343 = arith.constant 0 : i32
      %cond3A_344 = arith.cmpi ne, %convert_element_type3A_342, %cond3A_343 : i32
      scf.if %cond3A_344 {
        %ge3A = arith.constant 1 : i32
        %ge3A_391 = arith.cmpi sge, %add3A_325, %ge3A : i32
        %convert_element_type3A_392 = arith.extui %ge3A_391 : i1 to i32
        %cond3A_393 = arith.constant 0 : i32
        %cond3A_394 = arith.cmpi ne, %convert_element_type3A_392, %cond3A_393 : i32
        scf.if %cond3A_394 {
          %dma_wait3A_414 = arith.constant 0 : i32
          %dma_wait3A_415 = arith.constant 0 : i32
          %dma_wait3A_416 = arith.constant 0 : i32
          %dma_wait3A_417 = arith.constant 0 : i32
          %dma_wait3A_418 = tpu.memref_slice %arg25[%dma_wait3A_416, %dma_wait3A_417] : memref<10240x128xf32, #tpu.memory_space<vmem_shared>> -> memref<10240x128xf32, #tpu.memory_space<vmem_shared>>
          %dma_wait3A_419 = tpu.memref_slice %arg29[%dma_wait3A_414, %dma_wait3A_415] : memref<4x2x!tpu.dma_semaphore, #tpu.memory_space<semaphore_mem>> -> memref<1x1x!tpu.dma_semaphore, #tpu.memory_space<semaphore_mem>>
          %dma_wait3A_420 = tpu.memref_squeeze %dma_wait3A_419 : memref<1x1x!tpu.dma_semaphore, #tpu.memory_space<semaphore_mem>> -> memref<!tpu.dma_semaphore, #tpu.memory_space<semaphore_mem>>
          tpu.wait_indirect_dma semaphore(%dma_wait3A_420 : memref<!tpu.dma_semaphore, #tpu.memory_space<semaphore_mem>>) src(%arg17 : memref<80x128xf32, #tpu.memory_space<vmem>>) dst(%dma_wait3A_418 : memref<10240x128xf32, #tpu.memory_space<vmem_shared>>)
          %dma_wait3A_421 = arith.constant 0 : i32
          %dma_wait3A_422 = arith.constant 1 : i32
          %dma_wait3A_423 = arith.constant 0 : i32
          %dma_wait3A_424 = tpu.memref_slice %arg26[%dma_wait3A_423] : memref<10240xf32, #tpu.memory_space<vmem_shared>> -> memref<10240xf32, #tpu.memory_space<vmem_shared>>
          %dma_wait3A_425 = tpu.memref_slice %arg29[%dma_wait3A_421, %dma_wait3A_422] : memref<4x2x!tpu.dma_semaphore, #tpu.memory_space<semaphore_mem>> -> memref<1x1x!tpu.dma_semaphore, #tpu.memory_space<semaphore_mem>>
          %dma_wait3A_426 = tpu.memref_squeeze %dma_wait3A_425 : memref<1x1x!tpu.dma_semaphore, #tpu.memory_space<semaphore_mem>> -> memref<!tpu.dma_semaphore, #tpu.memory_space<semaphore_mem>>
          tpu.wait_indirect_dma semaphore(%dma_wait3A_426 : memref<!tpu.dma_semaphore, #tpu.memory_space<semaphore_mem>>) src(%arg21 : memref<80xf32, #tpu.memory_space<vmem>>) dst(%dma_wait3A_424 : memref<10240xf32, #tpu.memory_space<vmem_shared>>)
        } else {
        }
        %add3A_395 = arith.constant 3 : i32
        %add3A_396 = arith.addi %add3A_325, %add3A_395 : i32
        %mul3A_397 = arith.constant 80 : i32
        %mul3A_398 = arith.muli %add3A_396, %mul3A_397 : i32
        %add3A_399 = arith.addi %mul3A_20, %mul3A_398 : i32
        %add3A_400 = arith.constant 320000 : i32
        %add3A_401 = arith.addi %add3A_400, %add3A_399 : i32
        %dma_start3A_402 = arith.constant 0 : i32
        %dma_start3A_403 = arith.constant 0 : i32
        %dma_start3A_404 = tpu.memref_slice %arg4[%add3A_401] : memref<640000xi32, #tpu.memory_space<hbm>> -> memref<80xi32, #tpu.memory_space<hbm>>
        %dma_start3A_405 = tpu.memref_slice %arg27[%dma_start3A_402, %dma_start3A_403] : memref<4x2x!tpu.dma_semaphore, #tpu.memory_space<semaphore_mem>> -> memref<1x1x!tpu.dma_semaphore, #tpu.memory_space<semaphore_mem>>
        %dma_start3A_406 = tpu.memref_squeeze %dma_start3A_405 : memref<1x1x!tpu.dma_semaphore, #tpu.memory_space<semaphore_mem>> -> memref<!tpu.dma_semaphore, #tpu.memory_space<semaphore_mem>>
        %dma_start3A_407 = tpu.memref_slice %arg4[%add3A_401] : memref<640000xi32, #tpu.memory_space<hbm>> -> memref<80xi32, #tpu.memory_space<hbm>>
        tpu.enqueue_dma source(%dma_start3A_407 : memref<80xi32, #tpu.memory_space<hbm>>) target(%arg9 : memref<80xi32, #tpu.memory_space<vmem>>) target_semaphore(%dma_start3A_406 : memref<!tpu.dma_semaphore, #tpu.memory_space<semaphore_mem>>)
        %dma_start3A_408 = arith.constant 0 : i32
        %dma_start3A_409 = arith.constant 1 : i32
        %dma_start3A_410 = tpu.memref_slice %arg4[%add3A_399] : memref<640000xi32, #tpu.memory_space<hbm>> -> memref<80xi32, #tpu.memory_space<hbm>>
        %dma_start3A_411 = tpu.memref_slice %arg27[%dma_start3A_408, %dma_start3A_409] : memref<4x2x!tpu.dma_semaphore, #tpu.memory_space<semaphore_mem>> -> memref<1x1x!tpu.dma_semaphore, #tpu.memory_space<semaphore_mem>>
        %dma_start3A_412 = tpu.memref_squeeze %dma_start3A_411 : memref<1x1x!tpu.dma_semaphore, #tpu.memory_space<semaphore_mem>> -> memref<!tpu.dma_semaphore, #tpu.memory_space<semaphore_mem>>
        %dma_start3A_413 = tpu.memref_slice %arg4[%add3A_399] : memref<640000xi32, #tpu.memory_space<hbm>> -> memref<80xi32, #tpu.memory_space<hbm>>
        tpu.enqueue_dma source(%dma_start3A_413 : memref<80xi32, #tpu.memory_space<hbm>>) target(%arg13 : memref<80xi32, #tpu.memory_space<vmem>>) target_semaphore(%dma_start3A_412 : memref<!tpu.dma_semaphore, #tpu.memory_space<semaphore_mem>>)
      } else {
      }
      %mul3A_345 = arith.constant 4 : i32
      %mul3A_346 = arith.muli %scan3A_301, %mul3A_345 : i32
      %add3A_347 = arith.constant 2 : i32
      %add3A_348 = arith.addi %mul3A_346, %add3A_347 : i32
      %lt3A_349 = arith.constant 125 : i32
      %lt3A_350 = arith.cmpi slt, %add3A_348, %lt3A_349 : i32
      %convert_element_type3A_351 = arith.extui %lt3A_350 : i1 to i32
      %cond3A_352 = arith.constant 0 : i32
      %cond3A_353 = arith.cmpi ne, %convert_element_type3A_351, %cond3A_352 : i32
      scf.if %cond3A_353 {
        %dma_wait3A_391 = arith.constant 2 : i32
        %dma_wait3A_392 = arith.constant 0 : i32
        %dma_wait3A_393 = arith.constant 0 : i32
        %dma_wait3A_394 = arith.constant 0 : i32
        %dma_wait3A_395 = tpu.memref_slice %arg2[%dma_wait3A_393, %dma_wait3A_394] : memref<10000x128xf32, #tpu.memory_space<hbm>> -> memref<10000x128xf32, #tpu.memory_space<hbm>>
        %dma_wait3A_396 = tpu.memref_slice %arg28[%dma_wait3A_391, %dma_wait3A_392] : memref<4x2x!tpu.dma_semaphore, #tpu.memory_space<semaphore_mem>> -> memref<1x1x!tpu.dma_semaphore, #tpu.memory_space<semaphore_mem>>
        %dma_wait3A_397 = tpu.memref_squeeze %dma_wait3A_396 : memref<1x1x!tpu.dma_semaphore, #tpu.memory_space<semaphore_mem>> -> memref<!tpu.dma_semaphore, #tpu.memory_space<semaphore_mem>>
        tpu.wait_indirect_dma semaphore(%dma_wait3A_397 : memref<!tpu.dma_semaphore, #tpu.memory_space<semaphore_mem>>) src(%dma_wait3A_395 : memref<10000x128xf32, #tpu.memory_space<hbm>>) dst(%arg19 : memref<80x128xf32, #tpu.memory_space<vmem>>)
        %dma_wait3A_398 = arith.constant 2 : i32
        %dma_wait3A_399 = arith.constant 1 : i32
        %dma_wait3A_400 = arith.constant 0 : i32
        %dma_wait3A_401 = tpu.memref_slice %arg3[%dma_wait3A_400] : memref<10000xf32, #tpu.memory_space<hbm>> -> memref<10000xf32, #tpu.memory_space<hbm>>
        %dma_wait3A_402 = tpu.memref_slice %arg28[%dma_wait3A_398, %dma_wait3A_399] : memref<4x2x!tpu.dma_semaphore, #tpu.memory_space<semaphore_mem>> -> memref<1x1x!tpu.dma_semaphore, #tpu.memory_space<semaphore_mem>>
        %dma_wait3A_403 = tpu.memref_squeeze %dma_wait3A_402 : memref<1x1x!tpu.dma_semaphore, #tpu.memory_space<semaphore_mem>> -> memref<!tpu.dma_semaphore, #tpu.memory_space<semaphore_mem>>
        tpu.wait_indirect_dma semaphore(%dma_wait3A_403 : memref<!tpu.dma_semaphore, #tpu.memory_space<semaphore_mem>>) src(%dma_wait3A_401 : memref<10000xf32, #tpu.memory_space<hbm>>) dst(%arg23 : memref<80xf32, #tpu.memory_space<vmem>>)
        %dma_start3A_404 = arith.constant 2 : i32
        %dma_start3A_405 = arith.constant 0 : i32
        %dma_start3A_406 = arith.constant 0 : i32
        %dma_start3A_407 = arith.constant 0 : i32
        %dma_start3A_408 = tpu.memref_slice %arg25[%dma_start3A_406, %dma_start3A_407] : memref<10240x128xf32, #tpu.memory_space<vmem_shared>> -> memref<10240x128xf32, #tpu.memory_space<vmem_shared>>
        %dma_start3A_409 = tpu.memref_slice %arg29[%dma_start3A_404, %dma_start3A_405] : memref<4x2x!tpu.dma_semaphore, #tpu.memory_space<semaphore_mem>> -> memref<1x1x!tpu.dma_semaphore, #tpu.memory_space<semaphore_mem>>
        %dma_start3A_410 = tpu.memref_squeeze %dma_start3A_409 : memref<1x1x!tpu.dma_semaphore, #tpu.memory_space<semaphore_mem>> -> memref<!tpu.dma_semaphore, #tpu.memory_space<semaphore_mem>>
        tpu.enqueue_indirect_dma source(%arg19 : memref<80x128xf32, #tpu.memory_space<vmem>>) target(%dma_start3A_408 : memref<10240x128xf32, #tpu.memory_space<vmem_shared>>) offsets(%arg15 : memref<80xi32, #tpu.memory_space<vmem>>) semaphore(%dma_start3A_410 : memref<!tpu.dma_semaphore, #tpu.memory_space<semaphore_mem>>) {add = true}
        %dma_start3A_411 = arith.constant 2 : i32
        %dma_start3A_412 = arith.constant 1 : i32
        %dma_start3A_413 = arith.constant 0 : i32
        %dma_start3A_414 = tpu.memref_slice %arg26[%dma_start3A_413] : memref<10240xf32, #tpu.memory_space<vmem_shared>> -> memref<10240xf32, #tpu.memory_space<vmem_shared>>
        %dma_start3A_415 = tpu.memref_slice %arg29[%dma_start3A_411, %dma_start3A_412] : memref<4x2x!tpu.dma_semaphore, #tpu.memory_space<semaphore_mem>> -> memref<1x1x!tpu.dma_semaphore, #tpu.memory_space<semaphore_mem>>
        %dma_start3A_416 = tpu.memref_squeeze %dma_start3A_415 : memref<1x1x!tpu.dma_semaphore, #tpu.memory_space<semaphore_mem>> -> memref<!tpu.dma_semaphore, #tpu.memory_space<semaphore_mem>>
        tpu.enqueue_indirect_dma source(%arg23 : memref<80xf32, #tpu.memory_space<vmem>>) target(%dma_start3A_414 : memref<10240xf32, #tpu.memory_space<vmem_shared>>) offsets(%arg15 : memref<80xi32, #tpu.memory_space<vmem>>) semaphore(%dma_start3A_416 : memref<!tpu.dma_semaphore, #tpu.memory_space<semaphore_mem>>) {add = true}
      } else {
      }
      %add3A_354 = arith.constant 2 : i32
      %add3A_355 = arith.addi %add3A_348, %add3A_354 : i32
      %lt3A_356 = arith.constant 125 : i32
      %lt3A_357 = arith.cmpi slt, %add3A_355, %lt3A_356 : i32
      %convert_element_type3A_358 = arith.extui %lt3A_357 : i1 to i32
      %cond3A_359 = arith.constant 0 : i32
      %cond3A_360 = arith.cmpi ne, %convert_element_type3A_358, %cond3A_359 : i32
      scf.if %cond3A_360 {
        %add3A_391 = arith.constant 2 : i32
        %add3A_392 = arith.addi %add3A_348, %add3A_391 : i32
        %mul3A_393 = arith.constant 80 : i32
        %mul3A_394 = arith.muli %add3A_392, %mul3A_393 : i32
        %add3A_395 = arith.addi %mul3A_20, %mul3A_394 : i32
        %add3A_396 = arith.constant 320000 : i32
        %add3A_397 = arith.addi %add3A_396, %add3A_395 : i32
        %dma_wait3A_398 = arith.constant 0 : i32
        %dma_wait3A_399 = arith.constant 0 : i32
        %dma_wait3A_400 = tpu.memref_slice %arg4[%add3A_397] : memref<640000xi32, #tpu.memory_space<hbm>> -> memref<80xi32, #tpu.memory_space<hbm>>
        %dma_wait3A_401 = tpu.memref_slice %arg27[%dma_wait3A_398, %dma_wait3A_399] : memref<4x2x!tpu.dma_semaphore, #tpu.memory_space<semaphore_mem>> -> memref<1x1x!tpu.dma_semaphore, #tpu.memory_space<semaphore_mem>>
        %dma_wait3A_402 = tpu.memref_squeeze %dma_wait3A_401 : memref<1x1x!tpu.dma_semaphore, #tpu.memory_space<semaphore_mem>> -> memref<!tpu.dma_semaphore, #tpu.memory_space<semaphore_mem>>
        %dma_wait3A_403 = tpu.memref_slice %arg4[%add3A_397] : memref<640000xi32, #tpu.memory_space<hbm>> -> memref<80xi32, #tpu.memory_space<hbm>>
        tpu.wait_dma2 semaphore(%dma_wait3A_402 : memref<!tpu.dma_semaphore, #tpu.memory_space<semaphore_mem>>) src(%dma_wait3A_403 : memref<80xi32, #tpu.memory_space<hbm>>) dst(%arg9 : memref<80xi32, #tpu.memory_space<vmem>>)
        %dma_wait3A_404 = arith.constant 0 : i32
        %dma_wait3A_405 = arith.constant 1 : i32
        %dma_wait3A_406 = tpu.memref_slice %arg4[%add3A_395] : memref<640000xi32, #tpu.memory_space<hbm>> -> memref<80xi32, #tpu.memory_space<hbm>>
        %dma_wait3A_407 = tpu.memref_slice %arg27[%dma_wait3A_404, %dma_wait3A_405] : memref<4x2x!tpu.dma_semaphore, #tpu.memory_space<semaphore_mem>> -> memref<1x1x!tpu.dma_semaphore, #tpu.memory_space<semaphore_mem>>
        %dma_wait3A_408 = tpu.memref_squeeze %dma_wait3A_407 : memref<1x1x!tpu.dma_semaphore, #tpu.memory_space<semaphore_mem>> -> memref<!tpu.dma_semaphore, #tpu.memory_space<semaphore_mem>>
        %dma_wait3A_409 = tpu.memref_slice %arg4[%add3A_395] : memref<640000xi32, #tpu.memory_space<hbm>> -> memref<80xi32, #tpu.memory_space<hbm>>
        tpu.wait_dma2 semaphore(%dma_wait3A_408 : memref<!tpu.dma_semaphore, #tpu.memory_space<semaphore_mem>>) src(%dma_wait3A_409 : memref<80xi32, #tpu.memory_space<hbm>>) dst(%arg13 : memref<80xi32, #tpu.memory_space<vmem>>)
        %dma_start3A_410 = arith.constant 0 : i32
        %dma_start3A_411 = arith.constant 0 : i32
        %dma_start3A_412 = arith.constant 0 : i32
        %dma_start3A_413 = arith.constant 0 : i32
        %dma_start3A_414 = tpu.memref_slice %arg2[%dma_start3A_412, %dma_start3A_413] : memref<10000x128xf32, #tpu.memory_space<hbm>> -> memref<10000x128xf32, #tpu.memory_space<hbm>>
        %dma_start3A_415 = tpu.memref_slice %arg28[%dma_start3A_410, %dma_start3A_411] : memref<4x2x!tpu.dma_semaphore, #tpu.memory_space<semaphore_mem>> -> memref<1x1x!tpu.dma_semaphore, #tpu.memory_space<semaphore_mem>>
        %dma_start3A_416 = tpu.memref_squeeze %dma_start3A_415 : memref<1x1x!tpu.dma_semaphore, #tpu.memory_space<semaphore_mem>> -> memref<!tpu.dma_semaphore, #tpu.memory_space<semaphore_mem>>
        tpu.enqueue_indirect_dma source(%dma_start3A_414 : memref<10000x128xf32, #tpu.memory_space<hbm>>) target(%arg17 : memref<80x128xf32, #tpu.memory_space<vmem>>) offsets(%arg9 : memref<80xi32, #tpu.memory_space<vmem>>) semaphore(%dma_start3A_416 : memref<!tpu.dma_semaphore, #tpu.memory_space<semaphore_mem>>)
        %dma_start3A_417 = arith.constant 0 : i32
        %dma_start3A_418 = arith.constant 1 : i32
        %dma_start3A_419 = arith.constant 0 : i32
        %dma_start3A_420 = tpu.memref_slice %arg3[%dma_start3A_419] : memref<10000xf32, #tpu.memory_space<hbm>> -> memref<10000xf32, #tpu.memory_space<hbm>>
        %dma_start3A_421 = tpu.memref_slice %arg28[%dma_start3A_417, %dma_start3A_418] : memref<4x2x!tpu.dma_semaphore, #tpu.memory_space<semaphore_mem>> -> memref<1x1x!tpu.dma_semaphore, #tpu.memory_space<semaphore_mem>>
        %dma_start3A_422 = tpu.memref_squeeze %dma_start3A_421 : memref<1x1x!tpu.dma_semaphore, #tpu.memory_space<semaphore_mem>> -> memref<!tpu.dma_semaphore, #tpu.memory_space<semaphore_mem>>
        tpu.enqueue_indirect_dma source(%dma_start3A_420 : memref<10000xf32, #tpu.memory_space<hbm>>) target(%arg21 : memref<80xf32, #tpu.memory_space<vmem>>) offsets(%arg9 : memref<80xi32, #tpu.memory_space<vmem>>) semaphore(%dma_start3A_422 : memref<!tpu.dma_semaphore, #tpu.memory_space<semaphore_mem>>)
      } else {
      }
      %add3A_361 = arith.constant 3 : i32
      %add3A_362 = arith.addi %add3A_348, %add3A_361 : i32
      %lt3A_363 = arith.constant 125 : i32
      %lt3A_364 = arith.cmpi slt, %add3A_362, %lt3A_363 : i32
      %convert_element_type3A_365 = arith.extui %lt3A_364 : i1 to i32
      %cond3A_366 = arith.constant 0 : i32
      %cond3A_367 = arith.cmpi ne, %convert_element_type3A_365, %cond3A_366 : i32
      scf.if %cond3A_367 {
        %ge3A = arith.constant 1 : i32
        %ge3A_391 = arith.cmpi sge, %add3A_348, %ge3A : i32
        %convert_element_type3A_392 = arith.extui %ge3A_391 : i1 to i32
        %cond3A_393 = arith.constant 0 : i32
        %cond3A_394 = arith.cmpi ne, %convert_element_type3A_392, %cond3A_393 : i32
        scf.if %cond3A_394 {
          %dma_wait3A_414 = arith.constant 1 : i32
          %dma_wait3A_415 = arith.constant 0 : i32
          %dma_wait3A_416 = arith.constant 0 : i32
          %dma_wait3A_417 = arith.constant 0 : i32
          %dma_wait3A_418 = tpu.memref_slice %arg25[%dma_wait3A_416, %dma_wait3A_417] : memref<10240x128xf32, #tpu.memory_space<vmem_shared>> -> memref<10240x128xf32, #tpu.memory_space<vmem_shared>>
          %dma_wait3A_419 = tpu.memref_slice %arg29[%dma_wait3A_414, %dma_wait3A_415] : memref<4x2x!tpu.dma_semaphore, #tpu.memory_space<semaphore_mem>> -> memref<1x1x!tpu.dma_semaphore, #tpu.memory_space<semaphore_mem>>
          %dma_wait3A_420 = tpu.memref_squeeze %dma_wait3A_419 : memref<1x1x!tpu.dma_semaphore, #tpu.memory_space<semaphore_mem>> -> memref<!tpu.dma_semaphore, #tpu.memory_space<semaphore_mem>>
          tpu.wait_indirect_dma semaphore(%dma_wait3A_420 : memref<!tpu.dma_semaphore, #tpu.memory_space<semaphore_mem>>) src(%arg18 : memref<80x128xf32, #tpu.memory_space<vmem>>) dst(%dma_wait3A_418 : memref<10240x128xf32, #tpu.memory_space<vmem_shared>>)
          %dma_wait3A_421 = arith.constant 1 : i32
          %dma_wait3A_422 = arith.constant 1 : i32
          %dma_wait3A_423 = arith.constant 0 : i32
          %dma_wait3A_424 = tpu.memref_slice %arg26[%dma_wait3A_423] : memref<10240xf32, #tpu.memory_space<vmem_shared>> -> memref<10240xf32, #tpu.memory_space<vmem_shared>>
          %dma_wait3A_425 = tpu.memref_slice %arg29[%dma_wait3A_421, %dma_wait3A_422] : memref<4x2x!tpu.dma_semaphore, #tpu.memory_space<semaphore_mem>> -> memref<1x1x!tpu.dma_semaphore, #tpu.memory_space<semaphore_mem>>
          %dma_wait3A_426 = tpu.memref_squeeze %dma_wait3A_425 : memref<1x1x!tpu.dma_semaphore, #tpu.memory_space<semaphore_mem>> -> memref<!tpu.dma_semaphore, #tpu.memory_space<semaphore_mem>>
          tpu.wait_indirect_dma semaphore(%dma_wait3A_426 : memref<!tpu.dma_semaphore, #tpu.memory_space<semaphore_mem>>) src(%arg22 : memref<80xf32, #tpu.memory_space<vmem>>) dst(%dma_wait3A_424 : memref<10240xf32, #tpu.memory_space<vmem_shared>>)
        } else {
        }
        %add3A_395 = arith.constant 3 : i32
        %add3A_396 = arith.addi %add3A_348, %add3A_395 : i32
        %mul3A_397 = arith.constant 80 : i32
        %mul3A_398 = arith.muli %add3A_396, %mul3A_397 : i32
        %add3A_399 = arith.addi %mul3A_20, %mul3A_398 : i32
        %add3A_400 = arith.constant 320000 : i32
        %add3A_401 = arith.addi %add3A_400, %add3A_399 : i32
        %dma_start3A_402 = arith.constant 1 : i32
        %dma_start3A_403 = arith.constant 0 : i32
        %dma_start3A_404 = tpu.memref_slice %arg4[%add3A_401] : memref<640000xi32, #tpu.memory_space<hbm>> -> memref<80xi32, #tpu.memory_space<hbm>>
        %dma_start3A_405 = tpu.memref_slice %arg27[%dma_start3A_402, %dma_start3A_403] : memref<4x2x!tpu.dma_semaphore, #tpu.memory_space<semaphore_mem>> -> memref<1x1x!tpu.dma_semaphore, #tpu.memory_space<semaphore_mem>>
        %dma_start3A_406 = tpu.memref_squeeze %dma_start3A_405 : memref<1x1x!tpu.dma_semaphore, #tpu.memory_space<semaphore_mem>> -> memref<!tpu.dma_semaphore, #tpu.memory_space<semaphore_mem>>
        %dma_start3A_407 = tpu.memref_slice %arg4[%add3A_401] : memref<640000xi32, #tpu.memory_space<hbm>> -> memref<80xi32, #tpu.memory_space<hbm>>
        tpu.enqueue_dma source(%dma_start3A_407 : memref<80xi32, #tpu.memory_space<hbm>>) target(%arg10 : memref<80xi32, #tpu.memory_space<vmem>>) target_semaphore(%dma_start3A_406 : memref<!tpu.dma_semaphore, #tpu.memory_space<semaphore_mem>>)
        %dma_start3A_408 = arith.constant 1 : i32
        %dma_start3A_409 = arith.constant 1 : i32
        %dma_start3A_410 = tpu.memref_slice %arg4[%add3A_399] : memref<640000xi32, #tpu.memory_space<hbm>> -> memref<80xi32, #tpu.memory_space<hbm>>
        %dma_start3A_411 = tpu.memref_slice %arg27[%dma_start3A_408, %dma_start3A_409] : memref<4x2x!tpu.dma_semaphore, #tpu.memory_space<semaphore_mem>> -> memref<1x1x!tpu.dma_semaphore, #tpu.memory_space<semaphore_mem>>
        %dma_start3A_412 = tpu.memref_squeeze %dma_start3A_411 : memref<1x1x!tpu.dma_semaphore, #tpu.memory_space<semaphore_mem>> -> memref<!tpu.dma_semaphore, #tpu.memory_space<semaphore_mem>>
        %dma_start3A_413 = tpu.memref_slice %arg4[%add3A_399] : memref<640000xi32, #tpu.memory_space<hbm>> -> memref<80xi32, #tpu.memory_space<hbm>>
        tpu.enqueue_dma source(%dma_start3A_413 : memref<80xi32, #tpu.memory_space<hbm>>) target(%arg14 : memref<80xi32, #tpu.memory_space<vmem>>) target_semaphore(%dma_start3A_412 : memref<!tpu.dma_semaphore, #tpu.memory_space<semaphore_mem>>)
      } else {
      }
      %mul3A_368 = arith.constant 4 : i32
      %mul3A_369 = arith.muli %scan3A_301, %mul3A_368 : i32
      %add3A_370 = arith.constant 3 : i32
      %add3A_371 = arith.addi %mul3A_369, %add3A_370 : i32
      %lt3A_372 = arith.constant 125 : i32
      %lt3A_373 = arith.cmpi slt, %add3A_371, %lt3A_372 : i32
      %convert_element_type3A_374 = arith.extui %lt3A_373 : i1 to i32
      %cond3A_375 = arith.constant 0 : i32
      %cond3A_376 = arith.cmpi ne, %convert_element_type3A_374, %cond3A_375 : i32
      scf.if %cond3A_376 {
        %dma_wait3A_391 = arith.constant 3 : i32
        %dma_wait3A_392 = arith.constant 0 : i32
        %dma_wait3A_393 = arith.constant 0 : i32
        %dma_wait3A_394 = arith.constant 0 : i32
        %dma_wait3A_395 = tpu.memref_slice %arg2[%dma_wait3A_393, %dma_wait3A_394] : memref<10000x128xf32, #tpu.memory_space<hbm>> -> memref<10000x128xf32, #tpu.memory_space<hbm>>
        %dma_wait3A_396 = tpu.memref_slice %arg28[%dma_wait3A_391, %dma_wait3A_392] : memref<4x2x!tpu.dma_semaphore, #tpu.memory_space<semaphore_mem>> -> memref<1x1x!tpu.dma_semaphore, #tpu.memory_space<semaphore_mem>>
        %dma_wait3A_397 = tpu.memref_squeeze %dma_wait3A_396 : memref<1x1x!tpu.dma_semaphore, #tpu.memory_space<semaphore_mem>> -> memref<!tpu.dma_semaphore, #tpu.memory_space<semaphore_mem>>
        tpu.wait_indirect_dma semaphore(%dma_wait3A_397 : memref<!tpu.dma_semaphore, #tpu.memory_space<semaphore_mem>>) src(%dma_wait3A_395 : memref<10000x128xf32, #tpu.memory_space<hbm>>) dst(%arg20 : memref<80x128xf32, #tpu.memory_space<vmem>>)
        %dma_wait3A_398 = arith.constant 3 : i32
        %dma_wait3A_399 = arith.constant 1 : i32
        %dma_wait3A_400 = arith.constant 0 : i32
        %dma_wait3A_401 = tpu.memref_slice %arg3[%dma_wait3A_400] : memref<10000xf32, #tpu.memory_space<hbm>> -> memref<10000xf32, #tpu.memory_space<hbm>>
        %dma_wait3A_402 = tpu.memref_slice %arg28[%dma_wait3A_398, %dma_wait3A_399] : memref<4x2x!tpu.dma_semaphore, #tpu.memory_space<semaphore_mem>> -> memref<1x1x!tpu.dma_semaphore, #tpu.memory_space<semaphore_mem>>
        %dma_wait3A_403 = tpu.memref_squeeze %dma_wait3A_402 : memref<1x1x!tpu.dma_semaphore, #tpu.memory_space<semaphore_mem>> -> memref<!tpu.dma_semaphore, #tpu.memory_space<semaphore_mem>>
        tpu.wait_indirect_dma semaphore(%dma_wait3A_403 : memref<!tpu.dma_semaphore, #tpu.memory_space<semaphore_mem>>) src(%dma_wait3A_401 : memref<10000xf32, #tpu.memory_space<hbm>>) dst(%arg24 : memref<80xf32, #tpu.memory_space<vmem>>)
        %dma_start3A_404 = arith.constant 3 : i32
        %dma_start3A_405 = arith.constant 0 : i32
        %dma_start3A_406 = arith.constant 0 : i32
        %dma_start3A_407 = arith.constant 0 : i32
        %dma_start3A_408 = tpu.memref_slice %arg25[%dma_start3A_406, %dma_start3A_407] : memref<10240x128xf32, #tpu.memory_space<vmem_shared>> -> memref<10240x128xf32, #tpu.memory_space<vmem_shared>>
        %dma_start3A_409 = tpu.memref_slice %arg29[%dma_start3A_404, %dma_start3A_405] : memref<4x2x!tpu.dma_semaphore, #tpu.memory_space<semaphore_mem>> -> memref<1x1x!tpu.dma_semaphore, #tpu.memory_space<semaphore_mem>>
        %dma_start3A_410 = tpu.memref_squeeze %dma_start3A_409 : memref<1x1x!tpu.dma_semaphore, #tpu.memory_space<semaphore_mem>> -> memref<!tpu.dma_semaphore, #tpu.memory_space<semaphore_mem>>
        tpu.enqueue_indirect_dma source(%arg20 : memref<80x128xf32, #tpu.memory_space<vmem>>) target(%dma_start3A_408 : memref<10240x128xf32, #tpu.memory_space<vmem_shared>>) offsets(%arg16 : memref<80xi32, #tpu.memory_space<vmem>>) semaphore(%dma_start3A_410 : memref<!tpu.dma_semaphore, #tpu.memory_space<semaphore_mem>>) {add = true}
        %dma_start3A_411 = arith.constant 3 : i32
        %dma_start3A_412 = arith.constant 1 : i32
        %dma_start3A_413 = arith.constant 0 : i32
        %dma_start3A_414 = tpu.memref_slice %arg26[%dma_start3A_413] : memref<10240xf32, #tpu.memory_space<vmem_shared>> -> memref<10240xf32, #tpu.memory_space<vmem_shared>>
        %dma_start3A_415 = tpu.memref_slice %arg29[%dma_start3A_411, %dma_start3A_412] : memref<4x2x!tpu.dma_semaphore, #tpu.memory_space<semaphore_mem>> -> memref<1x1x!tpu.dma_semaphore, #tpu.memory_space<semaphore_mem>>
        %dma_start3A_416 = tpu.memref_squeeze %dma_start3A_415 : memref<1x1x!tpu.dma_semaphore, #tpu.memory_space<semaphore_mem>> -> memref<!tpu.dma_semaphore, #tpu.memory_space<semaphore_mem>>
        tpu.enqueue_indirect_dma source(%arg24 : memref<80xf32, #tpu.memory_space<vmem>>) target(%dma_start3A_414 : memref<10240xf32, #tpu.memory_space<vmem_shared>>) offsets(%arg16 : memref<80xi32, #tpu.memory_space<vmem>>) semaphore(%dma_start3A_416 : memref<!tpu.dma_semaphore, #tpu.memory_space<semaphore_mem>>) {add = true}
      } else {
      }
      %add3A_377 = arith.constant 2 : i32
      %add3A_378 = arith.addi %add3A_371, %add3A_377 : i32
      %lt3A_379 = arith.constant 125 : i32
      %lt3A_380 = arith.cmpi slt, %add3A_378, %lt3A_379 : i32
      %convert_element_type3A_381 = arith.extui %lt3A_380 : i1 to i32
      %cond3A_382 = arith.constant 0 : i32
      %cond3A_383 = arith.cmpi ne, %convert_element_type3A_381, %cond3A_382 : i32
      scf.if %cond3A_383 {
        %add3A_391 = arith.constant 2 : i32
        %add3A_392 = arith.addi %add3A_371, %add3A_391 : i32
        %mul3A_393 = arith.constant 80 : i32
        %mul3A_394 = arith.muli %add3A_392, %mul3A_393 : i32
        %add3A_395 = arith.addi %mul3A_20, %mul3A_394 : i32
        %add3A_396 = arith.constant 320000 : i32
        %add3A_397 = arith.addi %add3A_396, %add3A_395 : i32
        %dma_wait3A_398 = arith.constant 1 : i32
        %dma_wait3A_399 = arith.constant 0 : i32
        %dma_wait3A_400 = tpu.memref_slice %arg4[%add3A_397] : memref<640000xi32, #tpu.memory_space<hbm>> -> memref<80xi32, #tpu.memory_space<hbm>>
        %dma_wait3A_401 = tpu.memref_slice %arg27[%dma_wait3A_398, %dma_wait3A_399] : memref<4x2x!tpu.dma_semaphore, #tpu.memory_space<semaphore_mem>> -> memref<1x1x!tpu.dma_semaphore, #tpu.memory_space<semaphore_mem>>
        %dma_wait3A_402 = tpu.memref_squeeze %dma_wait3A_401 : memref<1x1x!tpu.dma_semaphore, #tpu.memory_space<semaphore_mem>> -> memref<!tpu.dma_semaphore, #tpu.memory_space<semaphore_mem>>
        %dma_wait3A_403 = tpu.memref_slice %arg4[%add3A_397] : memref<640000xi32, #tpu.memory_space<hbm>> -> memref<80xi32, #tpu.memory_space<hbm>>
        tpu.wait_dma2 semaphore(%dma_wait3A_402 : memref<!tpu.dma_semaphore, #tpu.memory_space<semaphore_mem>>) src(%dma_wait3A_403 : memref<80xi32, #tpu.memory_space<hbm>>) dst(%arg10 : memref<80xi32, #tpu.memory_space<vmem>>)
        %dma_wait3A_404 = arith.constant 1 : i32
        %dma_wait3A_405 = arith.constant 1 : i32
        %dma_wait3A_406 = tpu.memref_slice %arg4[%add3A_395] : memref<640000xi32, #tpu.memory_space<hbm>> -> memref<80xi32, #tpu.memory_space<hbm>>
        %dma_wait3A_407 = tpu.memref_slice %arg27[%dma_wait3A_404, %dma_wait3A_405] : memref<4x2x!tpu.dma_semaphore, #tpu.memory_space<semaphore_mem>> -> memref<1x1x!tpu.dma_semaphore, #tpu.memory_space<semaphore_mem>>
        %dma_wait3A_408 = tpu.memref_squeeze %dma_wait3A_407 : memref<1x1x!tpu.dma_semaphore, #tpu.memory_space<semaphore_mem>> -> memref<!tpu.dma_semaphore, #tpu.memory_space<semaphore_mem>>
        %dma_wait3A_409 = tpu.memref_slice %arg4[%add3A_395] : memref<640000xi32, #tpu.memory_space<hbm>> -> memref<80xi32, #tpu.memory_space<hbm>>
        tpu.wait_dma2 semaphore(%dma_wait3A_408 : memref<!tpu.dma_semaphore, #tpu.memory_space<semaphore_mem>>) src(%dma_wait3A_409 : memref<80xi32, #tpu.memory_space<hbm>>) dst(%arg14 : memref<80xi32, #tpu.memory_space<vmem>>)
        %dma_start3A_410 = arith.constant 1 : i32
        %dma_start3A_411 = arith.constant 0 : i32
        %dma_start3A_412 = arith.constant 0 : i32
        %dma_start3A_413 = arith.constant 0 : i32
        %dma_start3A_414 = tpu.memref_slice %arg2[%dma_start3A_412, %dma_start3A_413] : memref<10000x128xf32, #tpu.memory_space<hbm>> -> memref<10000x128xf32, #tpu.memory_space<hbm>>
        %dma_start3A_415 = tpu.memref_slice %arg28[%dma_start3A_410, %dma_start3A_411] : memref<4x2x!tpu.dma_semaphore, #tpu.memory_space<semaphore_mem>> -> memref<1x1x!tpu.dma_semaphore, #tpu.memory_space<semaphore_mem>>
        %dma_start3A_416 = tpu.memref_squeeze %dma_start3A_415 : memref<1x1x!tpu.dma_semaphore, #tpu.memory_space<semaphore_mem>> -> memref<!tpu.dma_semaphore, #tpu.memory_space<semaphore_mem>>
        tpu.enqueue_indirect_dma source(%dma_start3A_414 : memref<10000x128xf32, #tpu.memory_space<hbm>>) target(%arg18 : memref<80x128xf32, #tpu.memory_space<vmem>>) offsets(%arg10 : memref<80xi32, #tpu.memory_space<vmem>>) semaphore(%dma_start3A_416 : memref<!tpu.dma_semaphore, #tpu.memory_space<semaphore_mem>>)
        %dma_start3A_417 = arith.constant 1 : i32
        %dma_start3A_418 = arith.constant 1 : i32
        %dma_start3A_419 = arith.constant 0 : i32
        %dma_start3A_420 = tpu.memref_slice %arg3[%dma_start3A_419] : memref<10000xf32, #tpu.memory_space<hbm>> -> memref<10000xf32, #tpu.memory_space<hbm>>
        %dma_start3A_421 = tpu.memref_slice %arg28[%dma_start3A_417, %dma_start3A_418] : memref<4x2x!tpu.dma_semaphore, #tpu.memory_space<semaphore_mem>> -> memref<1x1x!tpu.dma_semaphore, #tpu.memory_space<semaphore_mem>>
        %dma_start3A_422 = tpu.memref_squeeze %dma_start3A_421 : memref<1x1x!tpu.dma_semaphore, #tpu.memory_space<semaphore_mem>> -> memref<!tpu.dma_semaphore, #tpu.memory_space<semaphore_mem>>
        tpu.enqueue_indirect_dma source(%dma_start3A_420 : memref<10000xf32, #tpu.memory_space<hbm>>) target(%arg22 : memref<80xf32, #tpu.memory_space<vmem>>) offsets(%arg10 : memref<80xi32, #tpu.memory_space<vmem>>) semaphore(%dma_start3A_422 : memref<!tpu.dma_semaphore, #tpu.memory_space<semaphore_mem>>)
      } else {
      }
      %add3A_384 = arith.constant 3 : i32
      %add3A_385 = arith.addi %add3A_371, %add3A_384 : i32
      %lt3A_386 = arith.constant 125 : i32
      %lt3A_387 = arith.cmpi slt, %add3A_385, %lt3A_386 : i32
      %convert_element_type3A_388 = arith.extui %lt3A_387 : i1 to i32
      %cond3A_389 = arith.constant 0 : i32
      %cond3A_390 = arith.cmpi ne, %convert_element_type3A_388, %cond3A_389 : i32
      scf.if %cond3A_390 {
        %ge3A = arith.constant 1 : i32
        %ge3A_391 = arith.cmpi sge, %add3A_371, %ge3A : i32
        %convert_element_type3A_392 = arith.extui %ge3A_391 : i1 to i32
        %cond3A_393 = arith.constant 0 : i32
        %cond3A_394 = arith.cmpi ne, %convert_element_type3A_392, %cond3A_393 : i32
        scf.if %cond3A_394 {
          %dma_wait3A_414 = arith.constant 2 : i32
          %dma_wait3A_415 = arith.constant 0 : i32
          %dma_wait3A_416 = arith.constant 0 : i32
          %dma_wait3A_417 = arith.constant 0 : i32
          %dma_wait3A_418 = tpu.memref_slice %arg25[%dma_wait3A_416, %dma_wait3A_417] : memref<10240x128xf32, #tpu.memory_space<vmem_shared>> -> memref<10240x128xf32, #tpu.memory_space<vmem_shared>>
          %dma_wait3A_419 = tpu.memref_slice %arg29[%dma_wait3A_414, %dma_wait3A_415] : memref<4x2x!tpu.dma_semaphore, #tpu.memory_space<semaphore_mem>> -> memref<1x1x!tpu.dma_semaphore, #tpu.memory_space<semaphore_mem>>
          %dma_wait3A_420 = tpu.memref_squeeze %dma_wait3A_419 : memref<1x1x!tpu.dma_semaphore, #tpu.memory_space<semaphore_mem>> -> memref<!tpu.dma_semaphore, #tpu.memory_space<semaphore_mem>>
          tpu.wait_indirect_dma semaphore(%dma_wait3A_420 : memref<!tpu.dma_semaphore, #tpu.memory_space<semaphore_mem>>) src(%arg19 : memref<80x128xf32, #tpu.memory_space<vmem>>) dst(%dma_wait3A_418 : memref<10240x128xf32, #tpu.memory_space<vmem_shared>>)
          %dma_wait3A_421 = arith.constant 2 : i32
          %dma_wait3A_422 = arith.constant 1 : i32
          %dma_wait3A_423 = arith.constant 0 : i32
          %dma_wait3A_424 = tpu.memref_slice %arg26[%dma_wait3A_423] : memref<10240xf32, #tpu.memory_space<vmem_shared>> -> memref<10240xf32, #tpu.memory_space<vmem_shared>>
          %dma_wait3A_425 = tpu.memref_slice %arg29[%dma_wait3A_421, %dma_wait3A_422] : memref<4x2x!tpu.dma_semaphore, #tpu.memory_space<semaphore_mem>> -> memref<1x1x!tpu.dma_semaphore, #tpu.memory_space<semaphore_mem>>
          %dma_wait3A_426 = tpu.memref_squeeze %dma_wait3A_425 : memref<1x1x!tpu.dma_semaphore, #tpu.memory_space<semaphore_mem>> -> memref<!tpu.dma_semaphore, #tpu.memory_space<semaphore_mem>>
          tpu.wait_indirect_dma semaphore(%dma_wait3A_426 : memref<!tpu.dma_semaphore, #tpu.memory_space<semaphore_mem>>) src(%arg23 : memref<80xf32, #tpu.memory_space<vmem>>) dst(%dma_wait3A_424 : memref<10240xf32, #tpu.memory_space<vmem_shared>>)
        } else {
        }
        %add3A_395 = arith.constant 3 : i32
        %add3A_396 = arith.addi %add3A_371, %add3A_395 : i32
        %mul3A_397 = arith.constant 80 : i32
        %mul3A_398 = arith.muli %add3A_396, %mul3A_397 : i32
        %add3A_399 = arith.addi %mul3A_20, %mul3A_398 : i32
        %add3A_400 = arith.constant 320000 : i32
        %add3A_401 = arith.addi %add3A_400, %add3A_399 : i32
        %dma_start3A_402 = arith.constant 2 : i32
        %dma_start3A_403 = arith.constant 0 : i32
        %dma_start3A_404 = tpu.memref_slice %arg4[%add3A_401] : memref<640000xi32, #tpu.memory_space<hbm>> -> memref<80xi32, #tpu.memory_space<hbm>>
        %dma_start3A_405 = tpu.memref_slice %arg27[%dma_start3A_402, %dma_start3A_403] : memref<4x2x!tpu.dma_semaphore, #tpu.memory_space<semaphore_mem>> -> memref<1x1x!tpu.dma_semaphore, #tpu.memory_space<semaphore_mem>>
        %dma_start3A_406 = tpu.memref_squeeze %dma_start3A_405 : memref<1x1x!tpu.dma_semaphore, #tpu.memory_space<semaphore_mem>> -> memref<!tpu.dma_semaphore, #tpu.memory_space<semaphore_mem>>
        %dma_start3A_407 = tpu.memref_slice %arg4[%add3A_401] : memref<640000xi32, #tpu.memory_space<hbm>> -> memref<80xi32, #tpu.memory_space<hbm>>
        tpu.enqueue_dma source(%dma_start3A_407 : memref<80xi32, #tpu.memory_space<hbm>>) target(%arg11 : memref<80xi32, #tpu.memory_space<vmem>>) target_semaphore(%dma_start3A_406 : memref<!tpu.dma_semaphore, #tpu.memory_space<semaphore_mem>>)
        %dma_start3A_408 = arith.constant 2 : i32
        %dma_start3A_409 = arith.constant 1 : i32
        %dma_start3A_410 = tpu.memref_slice %arg4[%add3A_399] : memref<640000xi32, #tpu.memory_space<hbm>> -> memref<80xi32, #tpu.memory_space<hbm>>
        %dma_start3A_411 = tpu.memref_slice %arg27[%dma_start3A_408, %dma_start3A_409] : memref<4x2x!tpu.dma_semaphore, #tpu.memory_space<semaphore_mem>> -> memref<1x1x!tpu.dma_semaphore, #tpu.memory_space<semaphore_mem>>
        %dma_start3A_412 = tpu.memref_squeeze %dma_start3A_411 : memref<1x1x!tpu.dma_semaphore, #tpu.memory_space<semaphore_mem>> -> memref<!tpu.dma_semaphore, #tpu.memory_space<semaphore_mem>>
        %dma_start3A_413 = tpu.memref_slice %arg4[%add3A_399] : memref<640000xi32, #tpu.memory_space<hbm>> -> memref<80xi32, #tpu.memory_space<hbm>>
        tpu.enqueue_dma source(%dma_start3A_413 : memref<80xi32, #tpu.memory_space<hbm>>) target(%arg15 : memref<80xi32, #tpu.memory_space<vmem>>) target_semaphore(%dma_start3A_412 : memref<!tpu.dma_semaphore, #tpu.memory_space<semaphore_mem>>)
      } else {
      }
    }
    %scan3A_129 = arith.constant 32 : i32
    %dma_wait3A_130 = arith.constant 0 : i32
    %dma_wait3A_131 = arith.constant 0 : i32
    %dma_wait3A_132 = arith.constant 0 : i32
    %dma_wait3A_133 = arith.constant 0 : i32
    %dma_wait3A_134 = tpu.memref_slice %arg25[%dma_wait3A_132, %dma_wait3A_133] : memref<10240x128xf32, #tpu.memory_space<vmem_shared>> -> memref<10240x128xf32, #tpu.memory_space<vmem_shared>>
    %dma_wait3A_135 = tpu.memref_slice %arg29[%dma_wait3A_130, %dma_wait3A_131] : memref<4x2x!tpu.dma_semaphore, #tpu.memory_space<semaphore_mem>> -> memref<1x1x!tpu.dma_semaphore, #tpu.memory_space<semaphore_mem>>
    %dma_wait3A_136 = tpu.memref_squeeze %dma_wait3A_135 : memref<1x1x!tpu.dma_semaphore, #tpu.memory_space<semaphore_mem>> -> memref<!tpu.dma_semaphore, #tpu.memory_space<semaphore_mem>>
    tpu.wait_indirect_dma semaphore(%dma_wait3A_136 : memref<!tpu.dma_semaphore, #tpu.memory_space<semaphore_mem>>) src(%arg17 : memref<80x128xf32, #tpu.memory_space<vmem>>) dst(%dma_wait3A_134 : memref<10240x128xf32, #tpu.memory_space<vmem_shared>>)
    %dma_wait3A_137 = arith.constant 0 : i32
    %dma_wait3A_138 = arith.constant 1 : i32
    %dma_wait3A_139 = arith.constant 0 : i32
    %dma_wait3A_140 = tpu.memref_slice %arg26[%dma_wait3A_139] : memref<10240xf32, #tpu.memory_space<vmem_shared>> -> memref<10240xf32, #tpu.memory_space<vmem_shared>>
    %dma_wait3A_141 = tpu.memref_slice %arg29[%dma_wait3A_137, %dma_wait3A_138] : memref<4x2x!tpu.dma_semaphore, #tpu.memory_space<semaphore_mem>> -> memref<1x1x!tpu.dma_semaphore, #tpu.memory_space<semaphore_mem>>
    %dma_wait3A_142 = tpu.memref_squeeze %dma_wait3A_141 : memref<1x1x!tpu.dma_semaphore, #tpu.memory_space<semaphore_mem>> -> memref<!tpu.dma_semaphore, #tpu.memory_space<semaphore_mem>>
    tpu.wait_indirect_dma semaphore(%dma_wait3A_142 : memref<!tpu.dma_semaphore, #tpu.memory_space<semaphore_mem>>) src(%arg21 : memref<80xf32, #tpu.memory_space<vmem>>) dst(%dma_wait3A_140 : memref<10240xf32, #tpu.memory_space<vmem_shared>>)
    %dma_wait3A_143 = arith.constant 1 : i32
    %dma_wait3A_144 = arith.constant 0 : i32
    %dma_wait3A_145 = arith.constant 0 : i32
    %dma_wait3A_146 = arith.constant 0 : i32
    %dma_wait3A_147 = tpu.memref_slice %arg25[%dma_wait3A_145, %dma_wait3A_146] : memref<10240x128xf32, #tpu.memory_space<vmem_shared>> -> memref<10240x128xf32, #tpu.memory_space<vmem_shared>>
    %dma_wait3A_148 = tpu.memref_slice %arg29[%dma_wait3A_143, %dma_wait3A_144] : memref<4x2x!tpu.dma_semaphore, #tpu.memory_space<semaphore_mem>> -> memref<1x1x!tpu.dma_semaphore, #tpu.memory_space<semaphore_mem>>
    %dma_wait3A_149 = tpu.memref_squeeze %dma_wait3A_148 : memref<1x1x!tpu.dma_semaphore, #tpu.memory_space<semaphore_mem>> -> memref<!tpu.dma_semaphore, #tpu.memory_space<semaphore_mem>>
    tpu.wait_indirect_dma semaphore(%dma_wait3A_149 : memref<!tpu.dma_semaphore, #tpu.memory_space<semaphore_mem>>) src(%arg18 : memref<80x128xf32, #tpu.memory_space<vmem>>) dst(%dma_wait3A_147 : memref<10240x128xf32, #tpu.memory_space<vmem_shared>>)
    %dma_wait3A_150 = arith.constant 1 : i32
    %dma_wait3A_151 = arith.constant 1 : i32
    %dma_wait3A_152 = arith.constant 0 : i32
    %dma_wait3A_153 = tpu.memref_slice %arg26[%dma_wait3A_152] : memref<10240xf32, #tpu.memory_space<vmem_shared>> -> memref<10240xf32, #tpu.memory_space<vmem_shared>>
    %dma_wait3A_154 = tpu.memref_slice %arg29[%dma_wait3A_150, %dma_wait3A_151] : memref<4x2x!tpu.dma_semaphore, #tpu.memory_space<semaphore_mem>> -> memref<1x1x!tpu.dma_semaphore, #tpu.memory_space<semaphore_mem>>
    %dma_wait3A_155 = tpu.memref_squeeze %dma_wait3A_154 : memref<1x1x!tpu.dma_semaphore, #tpu.memory_space<semaphore_mem>> -> memref<!tpu.dma_semaphore, #tpu.memory_space<semaphore_mem>>
    tpu.wait_indirect_dma semaphore(%dma_wait3A_155 : memref<!tpu.dma_semaphore, #tpu.memory_space<semaphore_mem>>) src(%arg22 : memref<80xf32, #tpu.memory_space<vmem>>) dst(%dma_wait3A_153 : memref<10240xf32, #tpu.memory_space<vmem_shared>>)
    %dma_wait3A_156 = arith.constant 2 : i32
    %dma_wait3A_157 = arith.constant 0 : i32
    %dma_wait3A_158 = arith.constant 0 : i32
    %dma_wait3A_159 = arith.constant 0 : i32
    %dma_wait3A_160 = tpu.memref_slice %arg25[%dma_wait3A_158, %dma_wait3A_159] : memref<10240x128xf32, #tpu.memory_space<vmem_shared>> -> memref<10240x128xf32, #tpu.memory_space<vmem_shared>>
    %dma_wait3A_161 = tpu.memref_slice %arg29[%dma_wait3A_156, %dma_wait3A_157] : memref<4x2x!tpu.dma_semaphore, #tpu.memory_space<semaphore_mem>> -> memref<1x1x!tpu.dma_semaphore, #tpu.memory_space<semaphore_mem>>
    %dma_wait3A_162 = tpu.memref_squeeze %dma_wait3A_161 : memref<1x1x!tpu.dma_semaphore, #tpu.memory_space<semaphore_mem>> -> memref<!tpu.dma_semaphore, #tpu.memory_space<semaphore_mem>>
    tpu.wait_indirect_dma semaphore(%dma_wait3A_162 : memref<!tpu.dma_semaphore, #tpu.memory_space<semaphore_mem>>) src(%arg19 : memref<80x128xf32, #tpu.memory_space<vmem>>) dst(%dma_wait3A_160 : memref<10240x128xf32, #tpu.memory_space<vmem_shared>>)
    %dma_wait3A_163 = arith.constant 2 : i32
    %dma_wait3A_164 = arith.constant 1 : i32
    %dma_wait3A_165 = arith.constant 0 : i32
    %dma_wait3A_166 = tpu.memref_slice %arg26[%dma_wait3A_165] : memref<10240xf32, #tpu.memory_space<vmem_shared>> -> memref<10240xf32, #tpu.memory_space<vmem_shared>>
    %dma_wait3A_167 = tpu.memref_slice %arg29[%dma_wait3A_163, %dma_wait3A_164] : memref<4x2x!tpu.dma_semaphore, #tpu.memory_space<semaphore_mem>> -> memref<1x1x!tpu.dma_semaphore, #tpu.memory_space<semaphore_mem>>
    %dma_wait3A_168 = tpu.memref_squeeze %dma_wait3A_167 : memref<1x1x!tpu.dma_semaphore, #tpu.memory_space<semaphore_mem>> -> memref<!tpu.dma_semaphore, #tpu.memory_space<semaphore_mem>>
    tpu.wait_indirect_dma semaphore(%dma_wait3A_168 : memref<!tpu.dma_semaphore, #tpu.memory_space<semaphore_mem>>) src(%arg23 : memref<80xf32, #tpu.memory_space<vmem>>) dst(%dma_wait3A_166 : memref<10240xf32, #tpu.memory_space<vmem_shared>>)
    %dma_wait3A_169 = arith.constant 3 : i32
    %dma_wait3A_170 = arith.constant 0 : i32
    %dma_wait3A_171 = arith.constant 0 : i32
    %dma_wait3A_172 = arith.constant 0 : i32
    %dma_wait3A_173 = tpu.memref_slice %arg25[%dma_wait3A_171, %dma_wait3A_172] : memref<10240x128xf32, #tpu.memory_space<vmem_shared>> -> memref<10240x128xf32, #tpu.memory_space<vmem_shared>>
    %dma_wait3A_174 = tpu.memref_slice %arg29[%dma_wait3A_169, %dma_wait3A_170] : memref<4x2x!tpu.dma_semaphore, #tpu.memory_space<semaphore_mem>> -> memref<1x1x!tpu.dma_semaphore, #tpu.memory_space<semaphore_mem>>
    %dma_wait3A_175 = tpu.memref_squeeze %dma_wait3A_174 : memref<1x1x!tpu.dma_semaphore, #tpu.memory_space<semaphore_mem>> -> memref<!tpu.dma_semaphore, #tpu.memory_space<semaphore_mem>>
    tpu.wait_indirect_dma semaphore(%dma_wait3A_175 : memref<!tpu.dma_semaphore, #tpu.memory_space<semaphore_mem>>) src(%arg20 : memref<80x128xf32, #tpu.memory_space<vmem>>) dst(%dma_wait3A_173 : memref<10240x128xf32, #tpu.memory_space<vmem_shared>>)
    %dma_wait3A_176 = arith.constant 3 : i32
    %dma_wait3A_177 = arith.constant 1 : i32
    %dma_wait3A_178 = arith.constant 0 : i32
    %dma_wait3A_179 = tpu.memref_slice %arg26[%dma_wait3A_178] : memref<10240xf32, #tpu.memory_space<vmem_shared>> -> memref<10240xf32, #tpu.memory_space<vmem_shared>>
    %dma_wait3A_180 = tpu.memref_slice %arg29[%dma_wait3A_176, %dma_wait3A_177] : memref<4x2x!tpu.dma_semaphore, #tpu.memory_space<semaphore_mem>> -> memref<1x1x!tpu.dma_semaphore, #tpu.memory_space<semaphore_mem>>
    %dma_wait3A_181 = tpu.memref_squeeze %dma_wait3A_180 : memref<1x1x!tpu.dma_semaphore, #tpu.memory_space<semaphore_mem>> -> memref<!tpu.dma_semaphore, #tpu.memory_space<semaphore_mem>>
    tpu.wait_indirect_dma semaphore(%dma_wait3A_181 : memref<!tpu.dma_semaphore, #tpu.memory_space<semaphore_mem>>) src(%arg24 : memref<80xf32, #tpu.memory_space<vmem>>) dst(%dma_wait3A_179 : memref<10240xf32, #tpu.memory_space<vmem_shared>>)
    %barrier3A_182 = arith.constant 0 : index
    tpu.barrier barrier_id(%barrier3A_182)
    %add3A_183 = arith.constant 0 : i32
    %add3A_184 = arith.addi %mul3A_2, %add3A_183 : i32
    %dma_start3A_185 = arith.constant 0 : i32
    %dma_start3A_186 = tpu.memref_slice %arg7[%arg0, %add3A_184, %dma_start3A_185] : memref<2x10240x128xf32, #tpu.memory_space<hbm>> -> memref<1x80x128xf32, #tpu.memory_space<hbm>>
    %dma_start3A_187 = tpu.memref_squeeze %dma_start3A_186 : memref<1x80x128xf32, #tpu.memory_space<hbm>> -> memref<80x128xf32, #tpu.memory_space<hbm>>
    %dma_start3A_188 = arith.constant 0 : i32
    %dma_start3A_189 = tpu.memref_slice %arg25[%add3A_184, %dma_start3A_188] : memref<10240x128xf32, #tpu.memory_space<vmem_shared>> -> memref<80x128xf32, #tpu.memory_space<vmem_shared>>
    tpu.enqueue_dma source(%dma_start3A_189 : memref<80x128xf32, #tpu.memory_space<vmem_shared>>) target(%dma_start3A_187 : memref<80x128xf32, #tpu.memory_space<hbm>>) target_semaphore(%arg30 : memref<!tpu.dma_semaphore, #tpu.memory_space<semaphore_mem>>)
    %add3A_190 = arith.constant 80 : i32
    %add3A_191 = arith.addi %mul3A_2, %add3A_190 : i32
    %dma_start3A_192 = arith.constant 0 : i32
    %dma_start3A_193 = tpu.memref_slice %arg7[%arg0, %add3A_191, %dma_start3A_192] : memref<2x10240x128xf32, #tpu.memory_space<hbm>> -> memref<1x80x128xf32, #tpu.memory_space<hbm>>
    %dma_start3A_194 = tpu.memref_squeeze %dma_start3A_193 : memref<1x80x128xf32, #tpu.memory_space<hbm>> -> memref<80x128xf32, #tpu.memory_space<hbm>>
    %dma_start3A_195 = arith.constant 0 : i32
    %dma_start3A_196 = tpu.memref_slice %arg25[%add3A_191, %dma_start3A_195] : memref<10240x128xf32, #tpu.memory_space<vmem_shared>> -> memref<80x128xf32, #tpu.memory_space<vmem_shared>>
    tpu.enqueue_dma source(%dma_start3A_196 : memref<80x128xf32, #tpu.memory_space<vmem_shared>>) target(%dma_start3A_194 : memref<80x128xf32, #tpu.memory_space<hbm>>) target_semaphore(%arg30 : memref<!tpu.dma_semaphore, #tpu.memory_space<semaphore_mem>>)
    %add3A_197 = arith.constant 160 : i32
    %add3A_198 = arith.addi %mul3A_2, %add3A_197 : i32
    %dma_start3A_199 = arith.constant 0 : i32
    %dma_start3A_200 = tpu.memref_slice %arg7[%arg0, %add3A_198, %dma_start3A_199] : memref<2x10240x128xf32, #tpu.memory_space<hbm>> -> memref<1x80x128xf32, #tpu.memory_space<hbm>>
    %dma_start3A_201 = tpu.memref_squeeze %dma_start3A_200 : memref<1x80x128xf32, #tpu.memory_space<hbm>> -> memref<80x128xf32, #tpu.memory_space<hbm>>
    %dma_start3A_202 = arith.constant 0 : i32
    %dma_start3A_203 = tpu.memref_slice %arg25[%add3A_198, %dma_start3A_202] : memref<10240x128xf32, #tpu.memory_space<vmem_shared>> -> memref<80x128xf32, #tpu.memory_space<vmem_shared>>
    tpu.enqueue_dma source(%dma_start3A_203 : memref<80x128xf32, #tpu.memory_space<vmem_shared>>) target(%dma_start3A_201 : memref<80x128xf32, #tpu.memory_space<hbm>>) target_semaphore(%arg30 : memref<!tpu.dma_semaphore, #tpu.memory_space<semaphore_mem>>)
    %add3A_204 = arith.constant 240 : i32
    %add3A_205 = arith.addi %mul3A_2, %add3A_204 : i32
    %dma_start3A_206 = arith.constant 0 : i32
    %dma_start3A_207 = tpu.memref_slice %arg7[%arg0, %add3A_205, %dma_start3A_206] : memref<2x10240x128xf32, #tpu.memory_space<hbm>> -> memref<1x80x128xf32, #tpu.memory_space<hbm>>
    %dma_start3A_208 = tpu.memref_squeeze %dma_start3A_207 : memref<1x80x128xf32, #tpu.memory_space<hbm>> -> memref<80x128xf32, #tpu.memory_space<hbm>>
    %dma_start3A_209 = arith.constant 0 : i32
    %dma_start3A_210 = tpu.memref_slice %arg25[%add3A_205, %dma_start3A_209] : memref<10240x128xf32, #tpu.memory_space<vmem_shared>> -> memref<80x128xf32, #tpu.memory_space<vmem_shared>>
    tpu.enqueue_dma source(%dma_start3A_210 : memref<80x128xf32, #tpu.memory_space<vmem_shared>>) target(%dma_start3A_208 : memref<80x128xf32, #tpu.memory_space<hbm>>) target_semaphore(%arg30 : memref<!tpu.dma_semaphore, #tpu.memory_space<semaphore_mem>>)
    %add3A_211 = arith.constant 320 : i32
    %add3A_212 = arith.addi %mul3A_2, %add3A_211 : i32
    %dma_start3A_213 = arith.constant 0 : i32
    %dma_start3A_214 = tpu.memref_slice %arg7[%arg0, %add3A_212, %dma_start3A_213] : memref<2x10240x128xf32, #tpu.memory_space<hbm>> -> memref<1x80x128xf32, #tpu.memory_space<hbm>>
    %dma_start3A_215 = tpu.memref_squeeze %dma_start3A_214 : memref<1x80x128xf32, #tpu.memory_space<hbm>> -> memref<80x128xf32, #tpu.memory_space<hbm>>
    %dma_start3A_216 = arith.constant 0 : i32
    %dma_start3A_217 = tpu.memref_slice %arg25[%add3A_212, %dma_start3A_216] : memref<10240x128xf32, #tpu.memory_space<vmem_shared>> -> memref<80x128xf32, #tpu.memory_space<vmem_shared>>
    tpu.enqueue_dma source(%dma_start3A_217 : memref<80x128xf32, #tpu.memory_space<vmem_shared>>) target(%dma_start3A_215 : memref<80x128xf32, #tpu.memory_space<hbm>>) target_semaphore(%arg30 : memref<!tpu.dma_semaphore, #tpu.memory_space<semaphore_mem>>)
    %add3A_218 = arith.constant 400 : i32
    %add3A_219 = arith.addi %mul3A_2, %add3A_218 : i32
    %dma_start3A_220 = arith.constant 0 : i32
    %dma_start3A_221 = tpu.memref_slice %arg7[%arg0, %add3A_219, %dma_start3A_220] : memref<2x10240x128xf32, #tpu.memory_space<hbm>> -> memref<1x80x128xf32, #tpu.memory_space<hbm>>
    %dma_start3A_222 = tpu.memref_squeeze %dma_start3A_221 : memref<1x80x128xf32, #tpu.memory_space<hbm>> -> memref<80x128xf32, #tpu.memory_space<hbm>>
    %dma_start3A_223 = arith.constant 0 : i32
    %dma_start3A_224 = tpu.memref_slice %arg25[%add3A_219, %dma_start3A_223] : memref<10240x128xf32, #tpu.memory_space<vmem_shared>> -> memref<80x128xf32, #tpu.memory_space<vmem_shared>>
    tpu.enqueue_dma source(%dma_start3A_224 : memref<80x128xf32, #tpu.memory_space<vmem_shared>>) target(%dma_start3A_222 : memref<80x128xf32, #tpu.memory_space<hbm>>) target_semaphore(%arg30 : memref<!tpu.dma_semaphore, #tpu.memory_space<semaphore_mem>>)
    %add3A_225 = arith.constant 480 : i32
    %add3A_226 = arith.addi %mul3A_2, %add3A_225 : i32
    %dma_start3A_227 = arith.constant 0 : i32
    %dma_start3A_228 = tpu.memref_slice %arg7[%arg0, %add3A_226, %dma_start3A_227] : memref<2x10240x128xf32, #tpu.memory_space<hbm>> -> memref<1x80x128xf32, #tpu.memory_space<hbm>>
    %dma_start3A_229 = tpu.memref_squeeze %dma_start3A_228 : memref<1x80x128xf32, #tpu.memory_space<hbm>> -> memref<80x128xf32, #tpu.memory_space<hbm>>
    %dma_start3A_230 = arith.constant 0 : i32
    %dma_start3A_231 = tpu.memref_slice %arg25[%add3A_226, %dma_start3A_230] : memref<10240x128xf32, #tpu.memory_space<vmem_shared>> -> memref<80x128xf32, #tpu.memory_space<vmem_shared>>
    tpu.enqueue_dma source(%dma_start3A_231 : memref<80x128xf32, #tpu.memory_space<vmem_shared>>) target(%dma_start3A_229 : memref<80x128xf32, #tpu.memory_space<hbm>>) target_semaphore(%arg30 : memref<!tpu.dma_semaphore, #tpu.memory_space<semaphore_mem>>)
    %add3A_232 = arith.constant 560 : i32
    %add3A_233 = arith.addi %mul3A_2, %add3A_232 : i32
    %dma_start3A_234 = arith.constant 0 : i32
    %dma_start3A_235 = tpu.memref_slice %arg7[%arg0, %add3A_233, %dma_start3A_234] : memref<2x10240x128xf32, #tpu.memory_space<hbm>> -> memref<1x80x128xf32, #tpu.memory_space<hbm>>
    %dma_start3A_236 = tpu.memref_squeeze %dma_start3A_235 : memref<1x80x128xf32, #tpu.memory_space<hbm>> -> memref<80x128xf32, #tpu.memory_space<hbm>>
    %dma_start3A_237 = arith.constant 0 : i32
    %dma_start3A_238 = tpu.memref_slice %arg25[%add3A_233, %dma_start3A_237] : memref<10240x128xf32, #tpu.memory_space<vmem_shared>> -> memref<80x128xf32, #tpu.memory_space<vmem_shared>>
    tpu.enqueue_dma source(%dma_start3A_238 : memref<80x128xf32, #tpu.memory_space<vmem_shared>>) target(%dma_start3A_236 : memref<80x128xf32, #tpu.memory_space<hbm>>) target_semaphore(%arg30 : memref<!tpu.dma_semaphore, #tpu.memory_space<semaphore_mem>>)
    %dma_start3A_239 = tpu.memref_slice %arg8[%arg0, %mul3A_2] : memref<2x10240xf32, #tpu.memory_space<hbm>> -> memref<1x640xf32, #tpu.memory_space<hbm>>
    %dma_start3A_240 = tpu.memref_squeeze %dma_start3A_239 : memref<1x640xf32, #tpu.memory_space<hbm>> -> memref<640xf32, #tpu.memory_space<hbm>>
    %dma_start3A_241 = tpu.memref_slice %arg26[%mul3A_2] : memref<10240xf32, #tpu.memory_space<vmem_shared>> -> memref<640xf32, #tpu.memory_space<vmem_shared>>
    tpu.enqueue_dma source(%dma_start3A_241 : memref<640xf32, #tpu.memory_space<vmem_shared>>) target(%dma_start3A_240 : memref<640xf32, #tpu.memory_space<hbm>>) target_semaphore(%arg30 : memref<!tpu.dma_semaphore, #tpu.memory_space<semaphore_mem>>)
    %add3A_242 = arith.constant 0 : i32
    %add3A_243 = arith.addi %mul3A_2, %add3A_242 : i32
    %dma_wait3A_244 = arith.constant 0 : i32
    %dma_wait3A_245 = tpu.memref_slice %arg7[%arg0, %add3A_243, %dma_wait3A_244] : memref<2x10240x128xf32, #tpu.memory_space<hbm>> -> memref<1x80x128xf32, #tpu.memory_space<hbm>>
    %dma_wait3A_246 = tpu.memref_squeeze %dma_wait3A_245 : memref<1x80x128xf32, #tpu.memory_space<hbm>> -> memref<80x128xf32, #tpu.memory_space<hbm>>
    %dma_wait3A_247 = arith.constant 0 : i32
    %dma_wait3A_248 = tpu.memref_slice %arg25[%add3A_243, %dma_wait3A_247] : memref<10240x128xf32, #tpu.memory_space<vmem_shared>> -> memref<80x128xf32, #tpu.memory_space<vmem_shared>>
    tpu.wait_dma2 semaphore(%arg30 : memref<!tpu.dma_semaphore, #tpu.memory_space<semaphore_mem>>) src(%dma_wait3A_248 : memref<80x128xf32, #tpu.memory_space<vmem_shared>>) dst(%dma_wait3A_246 : memref<80x128xf32, #tpu.memory_space<hbm>>)
    %add3A_249 = arith.constant 80 : i32
    %add3A_250 = arith.addi %mul3A_2, %add3A_249 : i32
    %dma_wait3A_251 = arith.constant 0 : i32
    %dma_wait3A_252 = tpu.memref_slice %arg7[%arg0, %add3A_250, %dma_wait3A_251] : memref<2x10240x128xf32, #tpu.memory_space<hbm>> -> memref<1x80x128xf32, #tpu.memory_space<hbm>>
    %dma_wait3A_253 = tpu.memref_squeeze %dma_wait3A_252 : memref<1x80x128xf32, #tpu.memory_space<hbm>> -> memref<80x128xf32, #tpu.memory_space<hbm>>
    %dma_wait3A_254 = arith.constant 0 : i32
    %dma_wait3A_255 = tpu.memref_slice %arg25[%add3A_250, %dma_wait3A_254] : memref<10240x128xf32, #tpu.memory_space<vmem_shared>> -> memref<80x128xf32, #tpu.memory_space<vmem_shared>>
    tpu.wait_dma2 semaphore(%arg30 : memref<!tpu.dma_semaphore, #tpu.memory_space<semaphore_mem>>) src(%dma_wait3A_255 : memref<80x128xf32, #tpu.memory_space<vmem_shared>>) dst(%dma_wait3A_253 : memref<80x128xf32, #tpu.memory_space<hbm>>)
    %add3A_256 = arith.constant 160 : i32
    %add3A_257 = arith.addi %mul3A_2, %add3A_256 : i32
    %dma_wait3A_258 = arith.constant 0 : i32
    %dma_wait3A_259 = tpu.memref_slice %arg7[%arg0, %add3A_257, %dma_wait3A_258] : memref<2x10240x128xf32, #tpu.memory_space<hbm>> -> memref<1x80x128xf32, #tpu.memory_space<hbm>>
    %dma_wait3A_260 = tpu.memref_squeeze %dma_wait3A_259 : memref<1x80x128xf32, #tpu.memory_space<hbm>> -> memref<80x128xf32, #tpu.memory_space<hbm>>
    %dma_wait3A_261 = arith.constant 0 : i32
    %dma_wait3A_262 = tpu.memref_slice %arg25[%add3A_257, %dma_wait3A_261] : memref<10240x128xf32, #tpu.memory_space<vmem_shared>> -> memref<80x128xf32, #tpu.memory_space<vmem_shared>>
    tpu.wait_dma2 semaphore(%arg30 : memref<!tpu.dma_semaphore, #tpu.memory_space<semaphore_mem>>) src(%dma_wait3A_262 : memref<80x128xf32, #tpu.memory_space<vmem_shared>>) dst(%dma_wait3A_260 : memref<80x128xf32, #tpu.memory_space<hbm>>)
    %add3A_263 = arith.constant 240 : i32
    %add3A_264 = arith.addi %mul3A_2, %add3A_263 : i32
    %dma_wait3A_265 = arith.constant 0 : i32
    %dma_wait3A_266 = tpu.memref_slice %arg7[%arg0, %add3A_264, %dma_wait3A_265] : memref<2x10240x128xf32, #tpu.memory_space<hbm>> -> memref<1x80x128xf32, #tpu.memory_space<hbm>>
    %dma_wait3A_267 = tpu.memref_squeeze %dma_wait3A_266 : memref<1x80x128xf32, #tpu.memory_space<hbm>> -> memref<80x128xf32, #tpu.memory_space<hbm>>
    %dma_wait3A_268 = arith.constant 0 : i32
    %dma_wait3A_269 = tpu.memref_slice %arg25[%add3A_264, %dma_wait3A_268] : memref<10240x128xf32, #tpu.memory_space<vmem_shared>> -> memref<80x128xf32, #tpu.memory_space<vmem_shared>>
    tpu.wait_dma2 semaphore(%arg30 : memref<!tpu.dma_semaphore, #tpu.memory_space<semaphore_mem>>) src(%dma_wait3A_269 : memref<80x128xf32, #tpu.memory_space<vmem_shared>>) dst(%dma_wait3A_267 : memref<80x128xf32, #tpu.memory_space<hbm>>)
    %add3A_270 = arith.constant 320 : i32
    %add3A_271 = arith.addi %mul3A_2, %add3A_270 : i32
    %dma_wait3A_272 = arith.constant 0 : i32
    %dma_wait3A_273 = tpu.memref_slice %arg7[%arg0, %add3A_271, %dma_wait3A_272] : memref<2x10240x128xf32, #tpu.memory_space<hbm>> -> memref<1x80x128xf32, #tpu.memory_space<hbm>>
    %dma_wait3A_274 = tpu.memref_squeeze %dma_wait3A_273 : memref<1x80x128xf32, #tpu.memory_space<hbm>> -> memref<80x128xf32, #tpu.memory_space<hbm>>
    %dma_wait3A_275 = arith.constant 0 : i32
    %dma_wait3A_276 = tpu.memref_slice %arg25[%add3A_271, %dma_wait3A_275] : memref<10240x128xf32, #tpu.memory_space<vmem_shared>> -> memref<80x128xf32, #tpu.memory_space<vmem_shared>>
    tpu.wait_dma2 semaphore(%arg30 : memref<!tpu.dma_semaphore, #tpu.memory_space<semaphore_mem>>) src(%dma_wait3A_276 : memref<80x128xf32, #tpu.memory_space<vmem_shared>>) dst(%dma_wait3A_274 : memref<80x128xf32, #tpu.memory_space<hbm>>)
    %add3A_277 = arith.constant 400 : i32
    %add3A_278 = arith.addi %mul3A_2, %add3A_277 : i32
    %dma_wait3A_279 = arith.constant 0 : i32
    %dma_wait3A_280 = tpu.memref_slice %arg7[%arg0, %add3A_278, %dma_wait3A_279] : memref<2x10240x128xf32, #tpu.memory_space<hbm>> -> memref<1x80x128xf32, #tpu.memory_space<hbm>>
    %dma_wait3A_281 = tpu.memref_squeeze %dma_wait3A_280 : memref<1x80x128xf32, #tpu.memory_space<hbm>> -> memref<80x128xf32, #tpu.memory_space<hbm>>
    %dma_wait3A_282 = arith.constant 0 : i32
    %dma_wait3A_283 = tpu.memref_slice %arg25[%add3A_278, %dma_wait3A_282] : memref<10240x128xf32, #tpu.memory_space<vmem_shared>> -> memref<80x128xf32, #tpu.memory_space<vmem_shared>>
    tpu.wait_dma2 semaphore(%arg30 : memref<!tpu.dma_semaphore, #tpu.memory_space<semaphore_mem>>) src(%dma_wait3A_283 : memref<80x128xf32, #tpu.memory_space<vmem_shared>>) dst(%dma_wait3A_281 : memref<80x128xf32, #tpu.memory_space<hbm>>)
    %add3A_284 = arith.constant 480 : i32
    %add3A_285 = arith.addi %mul3A_2, %add3A_284 : i32
    %dma_wait3A_286 = arith.constant 0 : i32
    %dma_wait3A_287 = tpu.memref_slice %arg7[%arg0, %add3A_285, %dma_wait3A_286] : memref<2x10240x128xf32, #tpu.memory_space<hbm>> -> memref<1x80x128xf32, #tpu.memory_space<hbm>>
    %dma_wait3A_288 = tpu.memref_squeeze %dma_wait3A_287 : memref<1x80x128xf32, #tpu.memory_space<hbm>> -> memref<80x128xf32, #tpu.memory_space<hbm>>
    %dma_wait3A_289 = arith.constant 0 : i32
    %dma_wait3A_290 = tpu.memref_slice %arg25[%add3A_285, %dma_wait3A_289] : memref<10240x128xf32, #tpu.memory_space<vmem_shared>> -> memref<80x128xf32, #tpu.memory_space<vmem_shared>>
    tpu.wait_dma2 semaphore(%arg30 : memref<!tpu.dma_semaphore, #tpu.memory_space<semaphore_mem>>) src(%dma_wait3A_290 : memref<80x128xf32, #tpu.memory_space<vmem_shared>>) dst(%dma_wait3A_288 : memref<80x128xf32, #tpu.memory_space<hbm>>)
    %add3A_291 = arith.constant 560 : i32
    %add3A_292 = arith.addi %mul3A_2, %add3A_291 : i32
    %dma_wait3A_293 = arith.constant 0 : i32
    %dma_wait3A_294 = tpu.memref_slice %arg7[%arg0, %add3A_292, %dma_wait3A_293] : memref<2x10240x128xf32, #tpu.memory_space<hbm>> -> memref<1x80x128xf32, #tpu.memory_space<hbm>>
    %dma_wait3A_295 = tpu.memref_squeeze %dma_wait3A_294 : memref<1x80x128xf32, #tpu.memory_space<hbm>> -> memref<80x128xf32, #tpu.memory_space<hbm>>
    %dma_wait3A_296 = arith.constant 0 : i32
    %dma_wait3A_297 = tpu.memref_slice %arg25[%add3A_292, %dma_wait3A_296] : memref<10240x128xf32, #tpu.memory_space<vmem_shared>> -> memref<80x128xf32, #tpu.memory_space<vmem_shared>>
    tpu.wait_dma2 semaphore(%arg30 : memref<!tpu.dma_semaphore, #tpu.memory_space<semaphore_mem>>) src(%dma_wait3A_297 : memref<80x128xf32, #tpu.memory_space<vmem_shared>>) dst(%dma_wait3A_295 : memref<80x128xf32, #tpu.memory_space<hbm>>)
    %dma_wait3A_298 = tpu.memref_slice %arg8[%arg0, %mul3A_2] : memref<2x10240xf32, #tpu.memory_space<hbm>> -> memref<1x640xf32, #tpu.memory_space<hbm>>
    %dma_wait3A_299 = tpu.memref_squeeze %dma_wait3A_298 : memref<1x640xf32, #tpu.memory_space<hbm>> -> memref<640xf32, #tpu.memory_space<hbm>>
    %dma_wait3A_300 = tpu.memref_slice %arg26[%mul3A_2] : memref<10240xf32, #tpu.memory_space<vmem_shared>> -> memref<640xf32, #tpu.memory_space<vmem_shared>>
    tpu.wait_dma2 semaphore(%arg30 : memref<!tpu.dma_semaphore, #tpu.memory_space<semaphore_mem>>) src(%dma_wait3A_300 : memref<640xf32, #tpu.memory_space<vmem_shared>>) dst(%dma_wait3A_299 : memref<640xf32, #tpu.memory_space<hbm>>)
    return
  }
}

module attributes {stable_mosaic.version = 14 : i64} {
  func.func @_combine_body(%arg0: i32, %arg1: memref<1024x1xf32, #tpu.memory_space<vmem>>, %arg2: memref<2x1024xf32, #tpu.memory_space<vmem>>, %arg3: memref<1x1024x128xf32, #tpu.memory_space<vmem>>, %arg4: memref<1x1024x128xf32, #tpu.memory_space<vmem>>, %arg5: memref<1024x128xf32, #tpu.memory_space<vmem>>, %arg6: memref<1024x128xf32, #tpu.memory_space<vmem>>) attributes {dimension_semantics = [#tpu.dimension_semantics<arbitrary>], iteration_bounds = array<i64: 10>, scalar_prefetch = 0 : i64, scratch_operands = 0 : i64, tpu.core_type = #tpu.core_type<tc>, window_params = [{transform_indices = @transform_0, window_bounds = array<i64: 1024, 1>}, {transform_indices = @transform_1, window_bounds = array<i64: 2, 1024>}, {transform_indices = @transform_2, window_bounds = array<i64: 1, 1024, 128>}, {transform_indices = @transform_3, window_bounds = array<i64: 1, 1024, 128>}, {transform_indices = @transform_4, window_bounds = array<i64: 1024, 128>}, {transform_indices = @transform_5, window_bounds = array<i64: 1024, 128>}]} {
    %get3A = arith.constant 0 : index
    %get3A_0 = arith.constant 0 : index
    %get3A_1 = vector.load %arg1[%get3A, %get3A_0] : memref<1024x1xf32, #tpu.memory_space<vmem>>, vector<1024x1xf32>
    %get3A_2 = arith.constant 0 : index
    %get3A_3 = arith.constant 0 : index
    %get3A_4 = vector.load %arg2[%get3A_2, %get3A_3] : memref<2x1024xf32, #tpu.memory_space<vmem>>, vector<1x1024xf32>
    %get3A_5 = vector.shape_cast %get3A_4 : vector<1x1024xf32> to vector<1024xf32>
    %get3A_6 = arith.constant 1 : index
    %get3A_7 = arith.constant 0 : index
    %get3A_8 = vector.load %arg2[%get3A_6, %get3A_7] : memref<2x1024xf32, #tpu.memory_space<vmem>>, vector<1x1024xf32>
    %get3A_9 = vector.shape_cast %get3A_8 : vector<1x1024xf32> to vector<1024xf32>
    %add3A = arith.addf %get3A_5, %get3A_9 : vector<1024xf32>
    %reshape3A = vector.shape_cast %add3A : vector<1024xf32> to vector<1024x1xf32>
    %mul3A = arith.mulf %get3A_1, %reshape3A : vector<1024x1xf32>
    %get3A_10 = arith.constant 0 : index
    %get3A_11 = arith.constant 0 : index
    %get3A_12 = arith.constant 0 : index
    %get3A_13 = vector.load %arg3[%get3A_10, %get3A_11, %get3A_12] : memref<1x1024x128xf32, #tpu.memory_space<vmem>>, vector<1x1024x128xf32>
    %get3A_14 = vector.shape_cast %get3A_13 : vector<1x1024x128xf32> to vector<1024x128xf32>
    %get3A_15 = arith.constant 0 : index
    %get3A_16 = arith.constant 0 : index
    %get3A_17 = arith.constant 0 : index
    %get3A_18 = vector.load %arg4[%get3A_15, %get3A_16, %get3A_17] : memref<1x1024x128xf32, #tpu.memory_space<vmem>>, vector<1x1024x128xf32>
    %get3A_19 = vector.shape_cast %get3A_18 : vector<1x1024x128xf32> to vector<1024x128xf32>
    %add3A_20 = arith.addf %get3A_14, %get3A_19 : vector<1024x128xf32>
    %div3A = arith.constant 1.000000e+00 : f32
    %div3A_21 = vector.broadcast %div3A : f32 to vector<1024x1xf32>
    %div3A_22 = arith.divf %div3A_21, %mul3A : vector<1024x1xf32>
    %add3A_23 = arith.constant 1.000000e-16 : f32
    %add3A_24 = vector.broadcast %add3A_23 : f32 to vector<1024x1xf32>
    %add3A_25 = arith.addf %div3A_22, %add3A_24 : vector<1024x1xf32>
    %get3A_26 = arith.constant 0 : index
    %get3A_27 = arith.constant 0 : index
    %get3A_28 = vector.load %arg5[%get3A_26, %get3A_27] : memref<1024x128xf32, #tpu.memory_space<vmem>>, vector<1024x128xf32>
    %mul3A_29 = vector.broadcast %mul3A : vector<1024x1xf32> to vector<1024x128xf32>
    %mul3A_30 = arith.mulf %mul3A_29, %get3A_28 : vector<1024x128xf32>
    %mul3A_31 = vector.broadcast %get3A_1 : vector<1024x1xf32> to vector<1024x128xf32>
    %mul3A_32 = arith.mulf %mul3A_31, %add3A_20 : vector<1024x128xf32>
    %add3A_33 = arith.addf %mul3A_30, %mul3A_32 : vector<1024x128xf32>
    %mul3A_34 = vector.broadcast %add3A_25 : vector<1024x1xf32> to vector<1024x128xf32>
    %mul3A_35 = arith.mulf %mul3A_34, %add3A_33 : vector<1024x128xf32>
    %gt3A = arith.constant 0.000000e+00 : f32
    %gt3A_36 = vector.broadcast %gt3A : f32 to vector<1024x1xf32>
    %gt3A_37 = arith.cmpf ogt, %mul3A, %gt3A_36 : vector<1024x1xf32>
    %jit3A = arith.constant 0.000000e+00 : f32
    %broadcast_in_dim3A = vector.shape_cast %gt3A_37 : vector<1024x1xi1> to vector<1024x1xi1>
    %broadcast_in_dim3A_38 = vector.broadcast %broadcast_in_dim3A : vector<1024x1xi1> to vector<1024x128xi1>
    %broadcast_in_dim3A_39 = vector.broadcast %jit3A : f32 to vector<1024x128xf32>
    %select_n3A = arith.select %broadcast_in_dim3A_38, %mul3A_35, %broadcast_in_dim3A_39 : vector<1024x128xi1>, vector<1024x128xf32>
    %swap3A = arith.constant 0 : index
    %swap3A_40 = arith.constant 0 : index
    %swap3A_41 = vector.load %arg6[%swap3A, %swap3A_40] : memref<1024x128xf32, #tpu.memory_space<vmem>>, vector<1024x128xf32>
    tpu.vector_store %arg6[%swap3A, %swap3A_40], %select_n3A {strides = array<i32>} : memref<1024x128xf32, #tpu.memory_space<vmem>>, vector<1024x128xf32>,
    return
  }
  func.func @transform_0(%arg0: i32) -> (i32, i32) {
    %c0_i32 = arith.constant 0 : i32
    %c0_i32_0 = arith.constant 0 : i32
    return %arg0, %c0_i32 : i32, i32
  }
  func.func @transform_1(%arg0: i32) -> (i32, i32) {
    %c0_i32 = arith.constant 0 : i32
    %c0_i32_0 = arith.constant 0 : i32
    return %c0_i32, %arg0 : i32, i32
  }
  func.func @transform_2(%arg0: i32) -> (i32, i32, i32) {
    %c0_i32 = arith.constant 0 : i32
    %c0_i32_0 = arith.constant 0 : i32
    %c0_i32_1 = arith.constant 0 : i32
    return %c0_i32, %arg0, %c0_i32_0 : i32, i32, i32
  }
  func.func @transform_3(%arg0: i32) -> (i32, i32, i32) {
    %c1_i32 = arith.constant 1 : i32
    %c0_i32 = arith.constant 0 : i32
    %c0_i32_0 = arith.constant 0 : i32
    return %c1_i32, %arg0, %c0_i32 : i32, i32, i32
  }
  func.func @transform_4(%arg0: i32) -> (i32, i32) {
    %c0_i32 = arith.constant 0 : i32
    %c0_i32_0 = arith.constant 0 : i32
    return %arg0, %c0_i32 : i32, i32
  }
  func.func @transform_5(%arg0: i32) -> (i32, i32) {
    %c0_i32 = arith.constant 0 : i32
    %c0_i32_0 = arith.constant 0 : i32
    return %arg0, %c0_i32 : i32, i32
  }
}

module attributes {stable_mosaic.version = 14 : i64} {
  func.func @_precompute_body(%arg0: i32, %arg1: memref<1024x128xf32, #tpu.memory_space<vmem>>, %arg2: memref<1024xf32, #tpu.memory_space<vmem>>, %arg3: memref<128x1xf32, #tpu.memory_space<vmem>>, %arg4: memref<128x1xf32, #tpu.memory_space<vmem>>, %arg5: memref<1x1xf32, #tpu.memory_space<vmem>>, %arg6: memref<128x128xf32, #tpu.memory_space<vmem>>, %arg7: memref<128x128xf32, #tpu.memory_space<vmem>>, %arg8: memref<1x128xf32, #tpu.memory_space<vmem>>, %arg9: memref<1024x1xf32, #tpu.memory_space<vmem>>, %arg10: memref<1024x1xf32, #tpu.memory_space<vmem>>, %arg11: memref<1024xf32, #tpu.memory_space<vmem>>, %arg12: memref<1024x128xf32, #tpu.memory_space<vmem>>, %arg13: memref<1024x128xf32, #tpu.memory_space<vmem>>) attributes {dimension_semantics = [#tpu.dimension_semantics<arbitrary>], iteration_bounds = array<i64: 10>, scalar_prefetch = 0 : i64, scratch_operands = 0 : i64, tpu.core_type = #tpu.core_type<tc>, window_params = [{transform_indices = @transform_0, window_bounds = array<i64: 1024, 128>}, {transform_indices = @transform_1, window_bounds = array<i64: 1024>}, {pipeline_mode = #tpu.pipeline_mode<synchronous>, transform_indices = @transform_2, window_bounds = array<i64: 128, 1>}, {pipeline_mode = #tpu.pipeline_mode<synchronous>, transform_indices = @transform_3, window_bounds = array<i64: 128, 1>}, {pipeline_mode = #tpu.pipeline_mode<synchronous>, transform_indices = @transform_4, window_bounds = array<i64: 1, 1>}, {pipeline_mode = #tpu.pipeline_mode<synchronous>, transform_indices = @transform_5, window_bounds = array<i64: 128, 128>}, {pipeline_mode = #tpu.pipeline_mode<synchronous>, transform_indices = @transform_6, window_bounds = array<i64: 128, 128>}, {pipeline_mode = #tpu.pipeline_mode<synchronous>, transform_indices = @transform_7, window_bounds = array<i64: 1, 128>}, {transform_indices = @transform_8, window_bounds = array<i64: 1024, 1>}, {transform_indices = @transform_9, window_bounds = array<i64: 1024, 1>}, {transform_indices = @transform_10, window_bounds = array<i64: 1024>}, {transform_indices = @transform_11, window_bounds = array<i64: 1024, 128>}, {transform_indices = @transform_12, window_bounds = array<i64: 1024, 128>}]} {
    %get3A = arith.constant 0 : index
    %get3A_0 = arith.constant 0 : index
    %get3A_1 = vector.load %arg1[%get3A, %get3A_0] : memref<1024x128xf32, #tpu.memory_space<vmem>>, vector<1024x128xf32>
    %get3A_2 = arith.constant 0 : index
    %get3A_3 = arith.constant 0 : index
    %get3A_4 = vector.load %arg3[%get3A_2, %get3A_3] : memref<128x1xf32, #tpu.memory_space<vmem>>, vector<128x1xf32>
    %dot_general3A = arith.constant dense<0.000000e+00> : vector<1024x1xf32>
    %dot_general3A_5 = tpu.matmul %get3A_1, %get3A_4, %dot_general3A {dimension_numbers = #tpu.dot_dimension_numbers<[1], [0], [0], [1], [0, 0, 1, 1], [], []>, transpose_lhs_hint = false} : vector<1024x128xf32>, vector<128x1xf32>, vector<1024x1xf32> -> vector<1024x1xf32>
    %get3A_6 = arith.constant 0 : index
    %get3A_7 = arith.constant 0 : index
    %get3A_8 = vector.load %arg4[%get3A_6, %get3A_7] : memref<128x1xf32, #tpu.memory_space<vmem>>, vector<128x1xf32>
    %dot_general3A_9 = arith.constant dense<0.000000e+00> : vector<1024x1xf32>
    %dot_general3A_10 = tpu.matmul %get3A_1, %get3A_8, %dot_general3A_9 {dimension_numbers = #tpu.dot_dimension_numbers<[1], [0], [0], [1], [0, 0, 1, 1], [], []>, transpose_lhs_hint = false} : vector<1024x128xf32>, vector<128x1xf32>, vector<1024x1xf32> -> vector<1024x1xf32>
    %exp3A = math.exp %dot_general3A_5 : vector<1024x1xf32>
    %get3A_11 = arith.constant 0 : index
    %get3A_12 = vector.load %arg2[%get3A_11] : memref<1024xf32, #tpu.memory_space<vmem>>, vector<1024xf32>
    %reshape3A = vector.shape_cast %get3A_12 : vector<1024xf32> to vector<1024x1xf32>
    %get3A_13 = arith.constant 0 : index
    %get3A_14 = arith.constant 0 : index
    %get3A_15 = vector.load %arg5[%get3A_13, %get3A_14] : memref<1x1xf32, #tpu.memory_space<vmem>>, vector<1x1xf32>
    %add3A = vector.broadcast %get3A_15 : vector<1x1xf32> to vector<1024x1xf32>
    %add3A_16 = arith.addf %dot_general3A_10, %add3A : vector<1024x1xf32>
    %exp3A_17 = math.exp %add3A_16 : vector<1024x1xf32>
    %mul3A = arith.mulf %reshape3A, %exp3A_17 : vector<1024x1xf32>
    %get3A_18 = arith.constant 0 : index
    %get3A_19 = arith.constant 0 : index
    %get3A_20 = vector.load %arg7[%get3A_18, %get3A_19] : memref<128x128xf32, #tpu.memory_space<vmem>>, vector<128x128xf32>
    %dot_general3A_21 = arith.constant dense<0.000000e+00> : vector<1024x128xf32>
    %dot_general3A_22 = tpu.matmul %get3A_1, %get3A_20, %dot_general3A_21 {dimension_numbers = #tpu.dot_dimension_numbers<[1], [0], [0], [1], [0, 0, 1, 1], [], []>, transpose_lhs_hint = false} : vector<1024x128xf32>, vector<128x128xf32>, vector<1024x128xf32> -> vector<1024x128xf32>
    %swap3A = arith.constant 0 : index
    %swap3A_23 = arith.constant 0 : index
    %swap3A_24 = vector.load %arg9[%swap3A, %swap3A_23] : memref<1024x1xf32, #tpu.memory_space<vmem>>, vector<1024x1xf32>
    tpu.vector_store %arg9[%swap3A, %swap3A_23], %exp3A {strides = array<i32>} : memref<1024x1xf32, #tpu.memory_space<vmem>>, vector<1024x1xf32>,
    %swap3A_25 = arith.constant 0 : index
    %swap3A_26 = arith.constant 0 : index
    %swap3A_27 = vector.load %arg10[%swap3A_25, %swap3A_26] : memref<1024x1xf32, #tpu.memory_space<vmem>>, vector<1024x1xf32>
    tpu.vector_store %arg10[%swap3A_25, %swap3A_26], %mul3A {strides = array<i32>} : memref<1024x1xf32, #tpu.memory_space<vmem>>, vector<1024x1xf32>,
    %reshape3A_28 = vector.shape_cast %mul3A : vector<1024x1xf32> to vector<1024xf32>
    %swap3A_29 = arith.constant 0 : index
    %swap3A_30 = vector.load %arg11[%swap3A_29] : memref<1024xf32, #tpu.memory_space<vmem>>, vector<1024xf32>
    tpu.vector_store %arg11[%swap3A_29], %reshape3A_28 {strides = array<i32>} : memref<1024xf32, #tpu.memory_space<vmem>>, vector<1024xf32>,
    %get3A_31 = arith.constant 0 : index
    %get3A_32 = arith.constant 0 : index
    %get3A_33 = vector.load %arg6[%get3A_31, %get3A_32] : memref<128x128xf32, #tpu.memory_space<vmem>>, vector<128x128xf32>
    %dot_general3A_34 = arith.constant dense<0.000000e+00> : vector<1024x128xf32>
    %dot_general3A_35 = tpu.matmul %get3A_1, %get3A_33, %dot_general3A_34 {dimension_numbers = #tpu.dot_dimension_numbers<[1], [0], [0], [1], [0, 0, 1, 1], [], []>, transpose_lhs_hint = false} : vector<1024x128xf32>, vector<128x128xf32>, vector<1024x128xf32> -> vector<1024x128xf32>
    %get3A_36 = arith.constant 0 : index
    %get3A_37 = arith.constant 0 : index
    %get3A_38 = vector.load %arg8[%get3A_36, %get3A_37] : memref<1x128xf32, #tpu.memory_space<vmem>>, vector<1x128xf32>
    %add3A_39 = vector.broadcast %get3A_38 : vector<1x128xf32> to vector<1024x128xf32>
    %add3A_40 = arith.addf %dot_general3A_35, %add3A_39 : vector<1024x128xf32>
    %swap3A_41 = arith.constant 0 : index
    %swap3A_42 = arith.constant 0 : index
    %swap3A_43 = vector.load %arg12[%swap3A_41, %swap3A_42] : memref<1024x128xf32, #tpu.memory_space<vmem>>, vector<1024x128xf32>
    tpu.vector_store %arg12[%swap3A_41, %swap3A_42], %add3A_40 {strides = array<i32>} : memref<1024x128xf32, #tpu.memory_space<vmem>>, vector<1024x128xf32>,
    %mul3A_44 = vector.broadcast %mul3A : vector<1024x1xf32> to vector<1024x128xf32>
    %mul3A_45 = arith.mulf %mul3A_44, %dot_general3A_22 : vector<1024x128xf32>
    %swap3A_46 = arith.constant 0 : index
    %swap3A_47 = arith.constant 0 : index
    %swap3A_48 = vector.load %arg13[%swap3A_46, %swap3A_47] : memref<1024x128xf32, #tpu.memory_space<vmem>>, vector<1024x128xf32>
    tpu.vector_store %arg13[%swap3A_46, %swap3A_47], %mul3A_45 {strides = array<i32>} : memref<1024x128xf32, #tpu.memory_space<vmem>>, vector<1024x128xf32>,
    return
  }
  func.func @transform_0(%arg0: i32) -> (i32, i32) {
    %c0_i32 = arith.constant 0 : i32
    %c0_i32_0 = arith.constant 0 : i32
    return %arg0, %c0_i32 : i32, i32
  }
  func.func @transform_1(%arg0: i32) -> i32 {
    %c0_i32 = arith.constant 0 : i32
    return %arg0 : i32
  }
  func.func @transform_2(%arg0: i32) -> (i32, i32) {
    %c0_i32 = arith.constant 0 : i32
    %c0_i32_0 = arith.constant 0 : i32
    %c0_i32_1 = arith.constant 0 : i32
    return %c0_i32, %c0_i32_0 : i32, i32
  }
  func.func @transform_3(%arg0: i32) -> (i32, i32) {
    %c0_i32 = arith.constant 0 : i32
    %c0_i32_0 = arith.constant 0 : i32
    %c0_i32_1 = arith.constant 0 : i32
    return %c0_i32, %c0_i32_0 : i32, i32
  }
  func.func @transform_4(%arg0: i32) -> (i32, i32) {
    %c0_i32 = arith.constant 0 : i32
    %c0_i32_0 = arith.constant 0 : i32
    %c0_i32_1 = arith.constant 0 : i32
    return %c0_i32, %c0_i32_0 : i32, i32
  }
  func.func @transform_5(%arg0: i32) -> (i32, i32) {
    %c0_i32 = arith.constant 0 : i32
    %c0_i32_0 = arith.constant 0 : i32
    %c0_i32_1 = arith.constant 0 : i32
    return %c0_i32, %c0_i32_0 : i32, i32
  }
  func.func @transform_6(%arg0: i32) -> (i32, i32) {
    %c0_i32 = arith.constant 0 : i32
    %c0_i32_0 = arith.constant 0 : i32
    %c0_i32_1 = arith.constant 0 : i32
    return %c0_i32, %c0_i32_0 : i32, i32
  }
  func.func @transform_7(%arg0: i32) -> (i32, i32) {
    %c0_i32 = arith.constant 0 : i32
    %c0_i32_0 = arith.constant 0 : i32
    %c0_i32_1 = arith.constant 0 : i32
    return %c0_i32, %c0_i32_0 : i32, i32
  }
  func.func @transform_8(%arg0: i32) -> (i32, i32) {
    %c0_i32 = arith.constant 0 : i32
    %c0_i32_0 = arith.constant 0 : i32
    return %arg0, %c0_i32 : i32, i32
  }
  func.func @transform_9(%arg0: i32) -> (i32, i32) {
    %c0_i32 = arith.constant 0 : i32
    %c0_i32_0 = arith.constant 0 : i32
    return %arg0, %c0_i32 : i32, i32
  }
  func.func @transform_10(%arg0: i32) -> i32 {
    %c0_i32 = arith.constant 0 : i32
    return %arg0 : i32
  }
  func.func @transform_11(%arg0: i32) -> (i32, i32) {
    %c0_i32 = arith.constant 0 : i32
    %c0_i32_0 = arith.constant 0 : i32
    return %arg0, %c0_i32 : i32, i32
  }
  func.func @transform_12(%arg0: i32) -> (i32, i32) {
    %c0_i32 = arith.constant 0 : i32
    %c0_i32_0 = arith.constant 0 : i32
    return %arg0, %c0_i32 : i32, i32
  }
}

</mosaic_0001>

<sc_bundles>
// kernel: kernel.5.cloned.1.call-start
scs
__scs_entry_jumppad:
0x0: {  	(pc) =	sbr.rel $0x88, $3  }
0x1: {  	(tag) =	ssettag $0x0;
	lr =	simm.s32 $0x1  }
0x2: {  	[smem:$0x3F9A] =	sst lr;
	_ =	strace $0xD0000000  }
0x3: {  	_ = 	snop  }
0x4: {  	_ = 	snop  }
0x5: {  	_ = 	snop  }
0x6: {  	_ = 	snop  }
0x7: {  	_ = 	snop  }
__scs_overlays_trampoline_lowered:
0x8: {  	[smem:$0x3FA9] =	sst s0  }
0x9: {  	[smem:$0x3FAA] =	sst s1  }
0xa: {  	[smem:$0x3FAB] =	sst s2  }
0xb: {  	[smem:$0x3FAC] =	sst s3  }
0xc: {  	[smem:$0x3FAD] =	sst s4  }
0xd: {  	[smem:$0x3FAE] =	sst s5  }
0xe: {  	[smem:$0x3FAF] =	sst s6  }
0xf: {  	[smem:$0x3FB0] =	sst s7  }
0x10: {  	[smem:$0x3FB1] =	sst s8  }
0x11: {  	[smem:$0x3FB2] =	sst s9;
	s0 =	simm.s32 @!p0 $0x0  }
0x12: {  	s1 =	sld [smem:$0x3F98];
	s0 =	simm.s32 @p0 $0x1  }
0x13: {  	[smem:$0x3FB3] =	sst s0;
	s0 =	simm.s32 @!p1 $0x0  }
0x14: {  	s2 =	sld [smem:$0x3F97];
	s0 =	simm.s32 @p1 $0x1  }
0x15: {  	[smem:$0x3FB4] =	sst s0;
	s0 =	simm.s32 @!p2 $0x0  }
0x16: {  	s3 =	sld [smem:$0x3FDB];
	s0 =	simm.s32 @p2 $0x1  }
0x17: {  	s4 =	simm.s32 $0x1BF5;
	[smem:$0x3FB6] =	sst s0  }
0x18: {  	s0 =	sld [smem:$0x3F99];
	_ =	swait.ge [sflag:s4], $0x0  }
0x19: {  	s7 =	sld [smem:$0x3F9A]  }
0x1a: {  	s8 =	sadd.s32 $0xFFFFE003, lr  }
0x1b: {  	s9 =	sadd.s32 $0xFFFFFEF7, lr;
	s5 =	simm.s32 $0xFFFFFFFF;
	p2 =	slt.u32 s8, $0xFFFFF086  }
0x1c: {  	p1 =	slt.u32 s9, $0xF7A;
	s5 =	simm.s32 @!p2 $0x0  }
0x1d: {  	s5 =	simm.s32 @p1 $0x1;
	p0 =	seq.s32 s7, s2  }
0x1e: {  	s7 =	smul.u32 @!p0 $0xF7A, s2;
	p2 =	seq.s32 @!p0 s5, $0x0  }
0x1f: {  	s9 =	smul.u32 $0xF7A, s1;
	s8 =	simm.s32 @!p0 $0x1BF5;
	p2 =	por !p2, p0  }
0x20: {  	[sflag:s8] =	ssyncset.s32 @!p0 $0xFFFFF086;
	s6 =	sadd.s32 @!p0 s3, s7;
	s7 =	simm.s32 @!p0 $0x108  }
0x21: {  	s3 =	sadd.s32 s3, s9;
	s6 =	sadd.s32 @!p0 $0x88, s6;
	s7 =	simm.s32 @p2 $0x1082  }
0x22: {  	[simem:s7], [sflag:s8] =	dma.local @!p0 [hbm:s6], $0xF7A  }
0x23: {  	s9 =	sor.u32 $0xD0000000, s2;
	s6 =	simm.s32 $0x108;
	_ =	swait.ge @!p0 [sflag:s8], $0x0  }
0x24: {  	s3 =	sadd.s32 $0x88, s3;
	s6 =	simm.s32 @!p1 $0x1082;
	[sflag:s4] =	ssyncset.s32 $0xFFFFF086  }
0x25: {  	[simem:s6], [sflag:s4] =	dma.local [hbm:s3], $0xF7A  }
0x26: {  	[smem:$0x3F9A] =	sst s1;
	(tag) =	ssettag s2;
	_ =	strace s9  }
0x27: {  	s1 =	sld [smem:$0x3FAA]  }
0x28: {  	s2 =	sld [smem:$0x3FAB]  }
0x29: {  	s4 =	sld [smem:$0x3FAD]  }
0x2a: {  	p0 =	seq.s32 s5, $0x0;
	s5 =	sld [smem:$0x3FAE]  }
0x2b: {  	s6 =	sld [smem:$0x3FAF]  }
0x2c: {  	s7 =	sld [smem:$0x3FB0]  }
0x2d: {  	s3 =	simm.s32 $0x108;
	s8 =	sld [smem:$0x3FB1]  }
0x2e: {  	s3 =	simm.s32 @!p0 $0x1082;
	s9 =	sld [smem:$0x3FB2]  }
0x2f: {  	lr =	sadd.s32 s0, s3;
	s0 =	sld [smem:$0x3FA9]  }
0x30: {  	s3 =	sld [smem:$0x3FAC]  }
0x31: {  	[smem:$0x3FB5] =	sst s10  }
0x32: {  	s10 =	sld [smem:$0x3FB3];
	_ =	sdelay $0x3  }
0x33: {  	p0 =	seq.s32 s10, $0x1;
	s10 =	sld [smem:$0x3FB5];
	_ =	sdelay $0x3  }
0x34: {  	[smem:$0x3FB5] =	sst s10  }
0x35: {  	s10 =	sld [smem:$0x3FB4];
	_ =	sdelay $0x3  }
0x36: {  	p1 =	seq.s32 s10, $0x1;
	s10 =	sld [smem:$0x3FB5];
	_ =	sdelay $0x3  }
0x37: {  	[smem:$0x3FB5] =	sst s10  }
0x38: {  	s10 =	sld [smem:$0x3FB6]  }
0x39: {  	_ = 	snop;
	(pc) =	sbr.ind lr, $3  }
0x3a: {  	_ = 	snop  }
0x3b: {  	_ = 	snop  }
0x3c: {  	p2 =	seq.s32 s10, $0x1;
	s10 =	sld [smem:$0x3FB5]  }
0x3d: {  	_ =	shalt  }
0x3e: {  	_ =	shalt  }
0x3f: {  	_ =	shalt  }
0x40: {  	_ =	shalt  }
0x41: {  	_ =	shalt  }
0x42: {  	_ =	shalt  }
0x43: {  	_ =	shalt  }
0x44: {  	_ =	shalt  }
0x45: {  	_ =	shalt  }
0x46: {  	_ =	shalt  }
0x47: {  	_ =	shalt  }
0x48: {  	_ =	shalt  }
0x49: {  	_ =	shalt  }
0x4a: {  	_ =	shalt  }
0x4b: {  	_ =	shalt  }
0x4c: {  	_ =	shalt  }
0x4d: {  	_ =	shalt  }
0x4e: {  	_ =	shalt  }
0x4f: {  	_ =	shalt  }
0x50: {  	_ =	shalt  }
0x51: {  	_ =	shalt  }
0x52: {  	_ =	shalt  }
0x53: {  	_ =	shalt  }
0x54: {  	_ =	shalt  }
0x55: {  	_ =	shalt  }
0x56: {  	_ =	shalt  }
0x57: {  	_ =	shalt  }
0x58: {  	_ =	shalt  }
0x59: {  	_ =	shalt  }
0x5a: {  	_ =	shalt  }
0x5b: {  	_ =	shalt  }
0x5c: {  	_ =	shalt  }
0x5d: {  	_ =	shalt  }
0x5e: {  	_ =	shalt  }
0x5f: {  	_ =	shalt  }
0x60: {  	_ =	shalt  }
0x61: {  	_ =	shalt  }
0x62: {  	_ =	shalt  }
0x63: {  	_ =	shalt  }
0x64: {  	_ =	shalt  }
0x65: {  	_ =	shalt  }
0x66: {  	_ =	shalt  }
0x67: {  	_ =	shalt  }
0x68: {  	_ =	shalt  }
0x69: {  	_ =	shalt  }
0x6a: {  	_ =	shalt  }
0x6b: {  	_ =	shalt  }
0x6c: {  	_ =	shalt  }
0x6d: {  	_ =	shalt  }
0x6e: {  	_ =	shalt  }
0x6f: {  	_ =	shalt  }
0x70: {  	_ =	shalt  }
0x71: {  	_ =	shalt  }
0x72: {  	_ =	shalt  }
0x73: {  	_ =	shalt  }
0x74: {  	_ =	shalt  }
0x75: {  	_ =	shalt  }
0x76: {  	_ =	shalt  }
0x77: {  	_ =	shalt  }
0x78: {  	_ =	shalt  }
0x79: {  	_ =	shalt  }
0x7a: {  	_ =	shalt  }
0x7b: {  	_ =	shalt  }
0x7c: {  	_ =	shalt  }
0x7d: {  	_ =	shalt  }
0x7e: {  	_ =	shalt  }
0x7f: {  	_ =	shalt  }
0x80: {  	_ =	shalt  }
0x81: {  	_ =	shalt  }
0x82: {  	_ =	shalt  }
0x83: {  	_ =	shalt  }
0x84: {  	_ =	shalt  }
0x85: {  	_ =	shalt  }
0x86: {  	_ =	shalt  }
0x87: {  	_ =	shalt  }
.Lfunc_end0:
.L_simem_size_0:
called_computation_lowered:
.L_overlay_start_0:
0x88: {  	s2 =	sld [smem:$0x3FD9]  }
0x89: {  	s3 =	sld [smem:$0x3FFE];
	_ =	sdelay $0x1  }
0x8a: {  	s1 =	srdreg.scid  }
0x8b: {  	s0 =	sand.u32 $0x1, s1  }
0x8c: {  	s17 =	sshll.u32 s0, $0xA;
	s2 =	sadd.s32 s3, s2  }
0x8d: {  	s2 =	sadd.s32 s2, s17  }
0x8e: {  	[smem:$0x3FC1] =	sst s2  }
0x8f: {  	_ = 	snop  }
0x90: {  	s2 =	sld [smem:$0x3FD0];
	(tm) =	ssettm $0x1  }
0x91: {  	s18 =	sld [smem:$0x3FFB];
	_ =	sdelay $0x3  }
0x92: {  	_ =	strace s18  }
0x93: {  	s3 =	sld [smem:$0x3FFC];
	_ =	sdelay $0x3  }
0x94: {  	_ =	strace s3  }
0x95: {  	s3 =	sld [smem:$0x3FFD];
	_ =	sdelay $0x3  }
0x96: {  	_ =	strace s3  }
0x97: {  	_ =	strace $0x8FFFFFFF  }
0x98: {  	s19 =	sld [smem:$0x3FDB];
	_ =	sdelay $0x1  }
0x99: {  	s4 =	simm.s32 $_scs_section_size  }
0x9a: {  	s5 =	simm.s32 $_size__tile_overlayer_lowered;
	s6 =	simm.s32 $_tile_overlayer_lowered  }
0x9b: {  	s22 =	simm.s32 $0x1BFF;
	s21 =	sshll.u32 s6, $0x1;
	s3 =	sadd.s32 s4, s19  }
0x9c: {  	s7 =	simm.s32 $0x0;
	s20 =	sshll.u32 s5, $0x1;
	s5 =	sadd.s32 s21, s3  }
0x9d: {  	[timem:s7], [sflag:s22] =	dma.local [hbm:s5], s20  }
0x9e: {  	_ =	swait.ge [sflag:s22], s20  }
0x9f: {  	s4 =	ssub.s32 $0x0, s20;
	[sflag:s22] =	ssyncset.done $0x0  }
0xa0: {  	[sflag:s22] =	ssyncadd.s32 s4;
	_ =	sdelay $0x1  }
0xa1: {  	s23 =	simm.s32 $0x1B8B  }
0xa2: {  	_ =	swait.ge [sflag:s23], $0x1  }
0xa3: {  	[sflag:s23] =	ssyncset.done $0x0  }
0xa4: {  	s25 =	simm.s32 $0x1B8E;
	s24 =	sld [smem:$0x3FFE];
	[sflag:s23] =	ssyncadd.s32 $0xFFFFFFFF  }
0xa5: {  	s26 =	simm.s32 $execute0_lowered;
	[smem:$0x3FD2] =	sst s25  }
0xa6: {  	s5 =	sshll.u32 s26, $0x1;
	_ =	strace $0x80000046;
	[dreg:$0x1] =	wrdreg $0xFFFFFFFF  }
0xa7: {  	s28 =	simm.s32 $_size_execute0_lowered;
	s3 =	sadd.s32 s3, s5;
	[dreg:$0x0] =	wrdreg $0x0  }
0xa8: {  	s5 =	sshll.u32 s28, $0x1;
	[dreg:$0x2] =	wrdreg s3  }
0xa9: {  	[dreg:$0x3] =	wrdreg s5  }
0xaa: {  	[dreg:$0x4] =	wrdreg $0xC0  }
0xab: {  	_ =	task [dreg:s7], $0x5FFFF  }
0xac: {  	[dreg:$0x1] =	wrdreg $0xFFFFFFFF  }
0xad: {  	[dreg:$0x0] =	wrdreg $0x60  }
0xae: {  	[dreg:$0x2] =	wrdreg s2  }
0xaf: {  	[dreg:$0x3] =	wrdreg s24  }
0xb0: {  	[dreg:$0x4] =	wrdreg $0xA6000  }
0xb1: {  	[dreg:$0x5] =	wrdreg $0x1E6000  }
0xb2: {  	[dreg:$0x6] =	wrdreg $0x9  }
0xb3: {  	_ =	task.clear_ibuf [dreg:s7], $0x7FFFF;
	_ =	strace $0x90000046  }
0xb4: {  	s29 =	simm.s32 $0x9;
	_ =	strace $0x80000048  }
0xb5: {  	_ =	swait.ge [sflag:s29], $0x1  }
0xb6: {  	[sflag:s29] =	ssyncadd.s32 $0xFFFFFFFF  }
0xb7: {  	_ =	strace $0x90000048  }
0xb8: {  	_ =	sfence  }
0xb9: {  	s30 =	sld [smem:$0x0];
	_ =	sdelay $0x2  }
0xba: {  	s31 =	sshll.u32 s1, $0xD;
	s1 =	sshrl.u32 s1, $0x2  }
0xbb: {  	s3 =	sand.u32 $0x4000, s31;
	s1 =	sadd.s32 s1, s30  }
0xbc: {  	s0 =	sor.u32 s3, s0;
	s1 =	sshll.u32 s1, $0x11  }
0xbd: {  	s0 =	sor.u32 s1, s0  }
0xbe: {  	s0 =	sadd.s32 $0x8F2B, s0  }
0xbf: {  	[sflag:s0] =	ssyncadd.remote.s32 $0x1  }
0xc0: {  	_ =	sfence.sel $0xFFFF  }
0xc1: {  	[dreg:$0x0] =	wrdreg $0xFFFFFFFF;
	(pc) =	sbr.abs _section_cstart, $3  }
0xc2: {  	[dreg:$0x1] =	wrdreg $0xFFFFFFFF  }
0xc3: {  	_ =	task.clear_ibuf [dreg:s7], $0x2FFFF;
	_ =	strace $0x9FFFFFFF  }
0xc4: {  	(tm) =	ssettm $0x7FFFFFFF  }
0xc5: {  	_ =	shalt  }
tec
execute0_lowered:
.L_overlay_start_1:
0x0: {  	(tag) =	ssettag $0x1  }
0x1: {  	s1 =	rddreg [dreg:$0x0]  }
0x2: {  	s5 =	rddreg [dreg:$0x1];
	s21 =	stileid.u32  }
0x3: {  	s0 =	srdreg.scid;
	s4 =	smul.u32 $0x500, s21  }
0x4: {  	s2 =	rddreg [dreg:$0x2];
	s6 =	sand.u32 $0x1, s0;
	s0 =	smul.u32 $0x280, s21  }
0x5: {  	s3 =	rddreg [dreg:$0x3];
	s17 =	smul.u32 $0x14000, s21  }
0x6: {  	s14 =	sadd.s32 $0x16400, s5;
	s7 =	ssub.s32 $0x2, s6;
	s12 =	smul.u32 $0x140000, s6  }
0x7: {  	s8 =	sshll.u32 s6, $0x7;
	s24 =	smul.u32 $0x27100, s6;
	s6 =	sshll.u32 s6, $0x4  }
0x8: {  	s9 =	sshrl.u32 s7, $0x1;
	s15 =	sor.u32 s8, s4;
	s11 =	sshll.u32 s0, $0x7  }
0x9: {  	s0 =	sadd.s32 s0, s3;
	s4 =	ssub.s32 s7, s9;
	s8 =	sor.u32 $0x2800, s11  }
0xa: {  	s7 =	sadd.s32 $0x5000, s11;
	s9 =	sadd.s32 $0x7800, s11;
	s10 =	sadd.s32 $0xA000, s11  }
0xb: {  	s13 =	sadd.s32 $0xC800, s11;
	s16 =	sadd.s32 $0xF000, s11;
	s11 =	sadd.s32 $0x11800, s11  }
0xc: {  	s17 =	sadd.s32 s17, s12;
	s18 =	sadd.s32 s12, s8;
	s19 =	sadd.s32 s12, s7  }
0xd: {  	s17 =	sshrl.u32 s17, $0x3;
	s22 =	sadd.s32 s12, s9;
	s23 =	sadd.s32 s12, s10  }
0xe: {  	s26 =	sadd.s32 s12, s13;
	s29 =	sadd.s32 s12, s16;
	s12 =	sadd.s32 s12, s11  }
0xf: {  	s18 =	sshrl.u32 s18, $0x3;
	s19 =	sshrl.u32 s19, $0x3;
	s17 =	sadd.s32 s14, s17  }
0x10: {  	s28 =	sshrl.u32 s26, $0x3;
	[dreg:$0xc] =	wrdreg s17;
	s18 =	sadd.s32 s14, s18  }
0x11: {  	s20 =	sadd.s32 s14, s19;
	s17 =	sshrl.u32 s22, $0x3;
	[dreg:$0xd] =	wrdreg s18  }
0x12: {  	s19 =	sshrl.u32 s12, $0x3;
	s12 =	simm.s32 $0x0;
	[dreg:$0xe] =	wrdreg s20  }
0x13: {  	s18 =	sshrl.u32 s23, $0x3;
	s17 =	sadd.s32 s14, s17;
	[smem:$0x7FF] =	sst s12  }
0x14: {  	s31 =	sshrl.u32 s29, $0x3;
	[dreg:$0xf] =	wrdreg s17;
	s25 =	sadd.s32 s14, s18  }
0x15: {  	s20 =	smul.u32 $0x2710, s21;
	s18 =	sadd.s32 s14, s28;
	[dreg:$0x10] =	wrdreg s25  }
0x16: {  	s16 =	sadd.s32 s16, s2;
	[dreg:$0x11] =	wrdreg s18;
	s18 =	sadd.s32 s14, s31  }
0x17: {  	s17 =	sadd.s32 s20, s24;
	s14 =	sadd.s32 s14, s19;
	[dreg:$0x12] =	wrdreg s18  }
0x18: {  	s4 =	smax.u32 s4, $0x1;
	[dreg:$0x13] =	wrdreg s14;
	s20 =	sadd.s32 $0x190, s17  }
0x19: {  	s14 =	sadd.s32 $0x1C00, s5;
	s23 =	sadd.s32 $0x4E390, s17;
	s25 =	sadd.s32 $0x4E340, s17  }
0x1a: {  	s31 =	sadd.s32 $0x4E2F0, s17;
	_ =	strace $0x80000047;
	[dreg:$0x1e] =	wrdreg s0  }
0x1b: {  	s22 =	sshrl.u32 s20, $0x3;
	s24 =	sshrl.u32 s23, $0x3;
	[smem:$0x7F7] =	sst s4  }
0x1c: {  	s19 =	sshrl.u32 s25, $0x3;
	[dreg:$0x1c] =	wrdreg s16;
	s18 =	sadd.s32 s22, s14  }
0x1d: {  	s20 =	sadd.s32 $0xF0, s17;
	s26 =	sadd.s32 s19, s14;
	[dreg:$0x5] =	wrdreg s18  }
0x1e: {  	s28 =	sshrl.u32 s20, $0x3;
	s18 =	sadd.s32 s24, s14;
	[dreg:$0x7] =	wrdreg s26  }
0x1f: {  	s19 =	sshrl.u32 s31, $0x3;
	s29 =	sadd.s32 s28, s14;
	[dreg:$0x6] =	wrdreg s18  }
0x20: {  	s22 =	sadd.s32 $0x4E3E0, s17;
	s28 =	sadd.s32 $0x15E00, s5;
	[dreg:$0x8] =	wrdreg s29  }
0x21: {  	s24 =	sshrl.u32 s22, $0x3;
	s22 =	sadd.s32 s9, s2;
	[dreg:$0x14] =	wrdreg s28  }
0x22: {  	s20 =	sadd.s32 $0x1E0, s17;
	s18 =	sadd.s32 s19, s14;
	[dreg:$0x19] =	wrdreg s22  }
0x23: {  	s26 =	smul.u32 $0x50000, s21;
	s25 =	sadd.s32 s24, s14;
	[dreg:$0x9] =	wrdreg s18  }
0x24: {  	s19 =	sshrl.u32 s20, $0x3;
	s20 =	sadd.s32 s8, s2;
	[dreg:$0xb] =	wrdreg s25  }
0x25: {  	s29 =	sor.u32 s21, s6;
	s21 =	sadd.s32 s7, s2;
	[dreg:$0x17] =	wrdreg s20  }
0x26: {  	s15 =	sshrl.u32 s15, $0x3;
	s24 =	sadd.s32 s13, s2;
	[dreg:$0x18] =	wrdreg s21  }
0x27: {  	s23 =	sadd.s32 s19, s14;
	s18 =	sadd.s32 s15, s5;
	[dreg:$0x1b] =	wrdreg s24  }
0x28: {  	s15 =	sadd.s32 $0x15600, s5;
	s5 =	sadd.s32 $0x15C00, s5;
	[dreg:$0xa] =	wrdreg s23  }
0x29: {  	s30 =	simm.s32 $0x9;
	s25 =	sadd.s32 s11, s2;
	[dreg:$0x15] =	wrdreg s5  }
0x2a: {  	s31 =	sshrl.u32 s26, $0x2;
	s13 =	sadd.s32 $0x66400, s18;
	[dreg:$0x1d] =	wrdreg s25  }
0x2b: {  	s5 =	smul.u32 $0x2710, s29;
	s18 =	sadd.s32 $0x140, s17;
	[smem:$0x7F6] =	sst s13  }
0x2c: {  	s4 =	simm.s32 $0x0;
	s19 =	sadd.s32 s31, s2;
	[smem:$0x7F8] =	sst s18  }
0x2d: {  	s23 =	sadd.s32 s10, s2;
	[dreg:$0x16] =	wrdreg s19;
	s5 =	sshrl.u32 s5, $0x3  }
0x2e: {  	s9 =	simm.s32 $0x200;
	[dreg:$0x1a] =	wrdreg s23;
	s11 =	sadd.s32 s14, s5  }
0x2f: {  	s7 =	simm.s32 $0x400;
	s26 =	sadd.s32 $0x9C40, s11;
	[dreg:$0x1f] =	wrdreg s11  }
0x30: {  	s8 =	simm.s32 $0x1A;
	s28 =	sadd.s32 $0x9C4A, s11;
	[smem:$0x7F9] =	sst s26  }
0x31: {  	s17 =	simm.s32 $0x50;
	s29 =	sadd.s32 $0xA, s11;
	[smem:$0x7FA] =	sst s28  }
0x32: {  	s18 =	simm.s32 $0x1;
	s31 =	sadd.s32 $0x9C54, s11;
	[smem:$0x7FB] =	sst s29  }
0x33: {  	s0 =	sadd.s32 $0x14, s11;
	s11 =	simm.s32 $0xA;
	[smem:$0x7FC] =	sst s31  }
0x34: {  	[smem:$0x7FD] =	sst s0;
	s26 =	simm.s32 $0xA400;
	s0 =	simm.s32 $0x19  }
.LBB2_1:
0x35: {  	s5 =	rddreg [dreg:$0x14]  }
0x36: {  	[tilespmem:s7], [sflag:$0x1A] =	stream.linear.gather [hbm4b:s5+s12], $0x2800, $0x38;
	[tilespmem:$0x1E880] =	vst v63  }
0x37: {  	_ =	swait.ge [sflag:s8], $0x2800  }
0x38: {  	[sflag:s8] =	ssyncset.done $0x0  }
0x39: {  	[sflag:s8] =	ssyncadd.s32 $0xFFFFD800  }
0x3a: {  	[spmem:s19] =	stream.linear.scatter [tilespmem:s7], [sflag:$0x1A], $0x2800, $0x38;
	[tilespmem:$0x1E880] =	vst v63  }
0x3b: {  	_ =	swait.ge [sflag:s8], $0x2800  }
0x3c: {  	[sflag:s8] =	ssyncset.done $0x0  }
0x3d: {  	[sflag:s8] =	ssyncadd.s32 $0xFFFFD800  }
0x3e: {  	[spmem:s20] =	stream.linear.scatter [tilespmem:s7], [sflag:$0x1A], $0x2800, $0x38;
	[tilespmem:$0x1E880] =	vst v63  }
0x3f: {  	_ =	swait.ge [sflag:s8], $0x2800  }
0x40: {  	[sflag:s8] =	ssyncset.done $0x0  }
0x41: {  	[sflag:s8] =	ssyncadd.s32 $0xFFFFD800  }
0x42: {  	[spmem:s21] =	stream.linear.scatter [tilespmem:s7], [sflag:$0x1A], $0x2800, $0x38;
	[tilespmem:$0x1E880] =	vst v63  }
0x43: {  	_ =	swait.ge [sflag:s8], $0x2800  }
0x44: {  	[sflag:s8] =	ssyncset.done $0x0  }
0x45: {  	[sflag:s8] =	ssyncadd.s32 $0xFFFFD800  }
0x46: {  	[spmem:s22] =	stream.linear.scatter [tilespmem:s7], [sflag:$0x1A], $0x2800, $0x38;
	[tilespmem:$0x1E880] =	vst v63  }
0x47: {  	_ =	swait.ge [sflag:s8], $0x2800  }
0x48: {  	[sflag:s8] =	ssyncset.done $0x0  }
0x49: {  	[sflag:s8] =	ssyncadd.s32 $0xFFFFD800  }
0x4a: {  	[spmem:s23] =	stream.linear.scatter [tilespmem:s7], [sflag:$0x1A], $0x2800, $0x38;
	[tilespmem:$0x1E880] =	vst v63  }
0x4b: {  	_ =	swait.ge [sflag:s8], $0x2800  }
0x4c: {  	[sflag:s8] =	ssyncset.done $0x0  }
0x4d: {  	[sflag:s8] =	ssyncadd.s32 $0xFFFFD800  }
0x4e: {  	[spmem:s24] =	stream.linear.scatter [tilespmem:s7], [sflag:$0x1A], $0x2800, $0x38;
	[tilespmem:$0x1E880] =	vst v63  }
0x4f: {  	_ =	swait.ge [sflag:s8], $0x2800  }
0x50: {  	[sflag:s8] =	ssyncset.done $0x0  }
0x51: {  	[sflag:s8] =	ssyncadd.s32 $0xFFFFD800  }
0x52: {  	[spmem:s16] =	stream.linear.scatter [tilespmem:s7], [sflag:$0x1A], $0x2800, $0x38;
	[tilespmem:$0x1E880] =	vst v63  }
0x53: {  	_ =	swait.ge [sflag:s8], $0x2800  }
0x54: {  	[sflag:s8] =	ssyncset.done $0x0  }
0x55: {  	s20 =	stileid.u32;
	[sflag:s8] =	ssyncadd.s32 $0xFFFFD800  }
0x56: {  	[spmem:s25] =	stream.linear.scatter [tilespmem:s7], [sflag:$0x1A], $0x2800, $0x38;
	[tilespmem:$0x1E880] =	vst v63  }
0x57: {  	s6 =	sshll.u32 s20, $0x6;
	_ =	swait.ge [sflag:s8], $0x2800  }
0x58: {  	s10 =	sor.u32 $0x1C1A, s6;
	[sflag:s8] =	ssyncset.done $0x0;
	s21 =	rddreg [dreg:$0x1e]  }
0x59: {  	s13 =	rddreg [dreg:$0x15];
	[sflag:s8] =	ssyncadd.s32 $0xFFFFD800;
	s5 =	sshrl.u32 s21, $0x3  }
0x5a: {  	[spmem:s5], [sflag:s10] =	dma.local [hbm:s13], $0x50  }
0x5b: {  	_ =	swait.ge [sflag:s8], $0x50  }
0x5c: {  	[sflag:s8] =	ssyncset.done $0x0  }
0x5d: {  	[sflag:s8] =	ssyncadd.s32 $0xFFFFFFB0  }
0x5e: {  	[bflag:$0x0] =	sbarrier.arrive $0xFFFF  }
0x5f: {  	s22 =	sld [smem:$0x7F9];
	_ =	sdelay $0x1  }
0x60: {  	s23 =	rddreg [dreg:$0x1f]  }
0x61: {  	[tilespmem:s12], [sflag:$0x1] =	stream.linear.gather [hbm4b:s22+s12], $0x50, $0x38;
	[tilespmem:$0x1E880] =	vst v63  }
0x62: {  	s24 =	sld [smem:$0x7FA]  }
0x63: {  	[tilespmem:s9], [sflag:$0x2] =	stream.linear.gather [hbm4b:s23+s12], $0x50, $0x38;
	[tilespmem:$0x1E880] =	vst v63  }
0x64: {  	s13 =	simm.s32 $0x80;
	s25 =	sld [smem:$0x7FB]  }
0x65: {  	[tilespmem:s13], [sflag:$0x3] =	stream.linear.gather [hbm4b:s24+s12], $0x50, $0x38;
	[tilespmem:$0x1E880] =	vst v63  }
0x66: {  	s31 =	simm.s32 $0x280;
	s16 =	sld [smem:$0x7FC]  }
0x67: {  	[tilespmem:s31], [sflag:$0x4] =	stream.linear.gather [hbm4b:s25+s12], $0x50, $0x38;
	[tilespmem:$0x1E880] =	vst v63  }
0x68: {  	s19 =	simm.s32 $0x100;
	s20 =	sld [smem:$0x7FD]  }
0x69: {  	[tilespmem:s19], [sflag:$0x5] =	stream.linear.gather [hbm4b:s16+s12], $0x50, $0x38;
	[tilespmem:$0x1E880] =	vst v63  }
0x6a: {  	s21 =	simm.s32 $0x300  }
0x6b: {  	[tilespmem:s21], [sflag:$0x6] =	stream.linear.gather [hbm4b:s20+s12], $0x50, $0x38;
	[tilespmem:$0x1E880] =	vst v63  }
0x6c: {  	_ =	swait.ge [sflag:s18], $0x50  }
0x6d: {  	[sflag:s18] =	ssyncset.done $0x0  }
0x6e: {  	s22 =	simm.s32 $0x2;
	[sflag:s18] =	ssyncadd.s32 $0xFFFFFFB0  }
0x6f: {  	_ =	swait.ge [sflag:s22], $0x50  }
0x70: {  	[sflag:s22] =	ssyncset.done $0x0  }
0x71: {  	[sflag:s22] =	ssyncadd.s32 $0xFFFFFFB0  }
0x72: {  	[tilespmem:s7], [sflag:$0x9] =	stream.indirect.gather [hbm4b:s1+s17], $0x80, s12, s17, $0xb8;
	[tilespmem:$0x1E880] =	vst v63  }
0x73: {  	s23 =	simm.s32 $0x3  }
0x74: {  	[tilespmem:s26], [sflag:$0xA] =	stream.indirect.gather [hbm4b:s15+s17], $0x1, s12, s17, $0xb8;
	[tilespmem:$0x1E880] =	vst v63  }
0x75: {  	_ =	swait.ge [sflag:s23], $0x50  }
0x76: {  	[sflag:s23] =	ssyncset.done $0x0  }
0x77: {  	s24 =	simm.s32 $0x4;
	[sflag:s23] =	ssyncadd.s32 $0xFFFFFFB0  }
0x78: {  	_ =	swait.ge [sflag:s24], $0x50  }
0x79: {  	[sflag:s24] =	ssyncset.done $0x0  }
0x7a: {  	s25 =	simm.s32 $0x2C00;
	[sflag:s24] =	ssyncadd.s32 $0xFFFFFFB0  }
0x7b: {  	[tilespmem:s25], [sflag:$0xB] =	stream.indirect.gather [hbm4b:s1+s17], $0x80, s13, s17, $0xb8;
	[tilespmem:$0x1E880] =	vst v63  }
0x7c: {  	s31 =	simm.s32 $0xA480  }
0x7d: {  	[tilespmem:s31], [sflag:$0xC] =	stream.indirect.gather [hbm4b:s15+s17], $0x1, s13, s17, $0xb8;
	[tilespmem:$0x1E880] =	vst v63  }
0x7e: {  	_ =	swait.ge [sflag:s30], $0x2800  }
0x7f: {  	[sflag:s30] =	ssyncset.done $0x0  }
0x80: {  	[sflag:s30] =	ssyncadd.s32 $0xFFFFD800  }
0x81: {  	_ =	swait.ge [sflag:s11], $0x50  }
0x82: {  	[sflag:s11] =	ssyncset.done $0x0  }
0x83: {  	p1 =	por $0x0, $0x0;
	[sflag:s11] =	ssyncadd.s32 $0xFFFFFFB0  }
0x84: {  	[spmem:s2] =	stream.indirect.scatter.add.f32 [tilespmem:s7], [sflag:$0x11], $0x80, s9, s17, $0xb8;
	[tilespmem:$0x1E880] =	vst v63  }
0x85: {  	s10 =	simm.s32 @!p1 $0x5  }
0x86: {  	[spmem:s3] =	stream.indirect.scatter.add.f32 [tilespmem:s26], [sflag:$0x12], $0x1, s9, s17, $0xb8;
	[tilespmem:$0x1E880] =	vst v63  }
0x87: {  	_ =	swait.ge @!p1 [sflag:s10], $0x50  }
0x88: {  	[sflag:s10] =	ssyncset.done @!p1 $0x0  }
0x89: {  	p0 =	por $0x0, $0x0;
	s16 =	simm.s32 @!p1 $0x6;
	[sflag:s10] =	ssyncadd.s32 @!p1 $0xFFFFFFB0  }
0x8a: {  	p2 =	por @!p0 $0x1, $0x1;
	_ =	swait.ge @!p1 [sflag:s16], $0x50  }
0x8b: {  	p2 =	por p2, p0;
	s19 =	simm.s32 @!p1 $0x100;
	[sflag:s16] =	ssyncset.done @!p1 $0x0  }
0x8c: {  	s18 =	simm.s32 @!p1 $0x50;
	s10 =	simm.s32 @!p1 $0x5400;
	[sflag:s16] =	ssyncadd.s32 @!p1 $0xFFFFFFB0  }
0x8d: {  	[tilespmem:s10], [sflag:$0xD] =	stream.indirect.gather @!p1 [hbm4b:s1+s18], $0x80, s19, s18, $0xb8;
	[tilespmem:$0x1E880] =	vst v63  }
0x8e: {  	s16 =	simm.s32 @!p2 $0x17;
	s10 =	simm.s32 @!p1 $0xA500  }
0x8f: {  	[tilespmem:s10], [sflag:$0xE] =	stream.indirect.gather @!p1 [hbm4b:s15+s18], $0x1, s19, s18, $0xb8;
	[tilespmem:$0x1E880] =	vst v63  }
0x90: {  	_ =	swait.ge @!p2 [sflag:s16], $0x2800  }
0x91: {  	[sflag:s16] =	ssyncset.done @!p2 $0x0  }
0x92: {  	s10 =	simm.s32 @!p2 $0x18;
	[sflag:s16] =	ssyncadd.s32 @!p2 $0xFFFFD800  }
0x93: {  	_ =	swait.ge @!p2 [sflag:s10], $0x50  }
0x94: {  	s16 =	rddreg [dreg:$0x9]  }
0x95: {  	s20 =	simm.s32 @!p0 $0x180;
	[sflag:s10] =	ssyncset.done @!p2 $0x0;
	s19 =	rddreg [dreg:$0x8]  }
0x96: {  	[sflag:s10] =	ssyncadd.s32 @!p2 $0xFFFFFFB0;
	s10 =	sadd.s32 @!p0 $0x0, s16;
	s16 =	simm.s32 @!p0 $0x0  }
0x97: {  	[tilespmem:s20], [sflag:$0x7] =	stream.linear.gather @!p0 [hbm4b:s10+s16], $0x50, $0x38;
	[tilespmem:$0x1E880] =	vst v63  }
0x98: {  	s21 =	simm.s32 @!p1 $0xB;
	s19 =	sadd.s32 @!p0 $0x0, s19;
	s10 =	simm.s32 @!p0 $0x380  }
0x99: {  	[tilespmem:s10], [sflag:$0x8] =	stream.linear.gather @!p0 [hbm4b:s19+s16], $0x50, $0x38;
	[tilespmem:$0x1E880] =	vst v63  }
0x9a: {  	_ =	swait.ge @!p1 [sflag:s21], $0x2800  }
0x9b: {  	[sflag:s21] =	ssyncset.done @!p1 $0x0  }
0x9c: {  	s16 =	simm.s32 @!p1 $0xC;
	[sflag:s21] =	ssyncadd.s32 @!p1 $0xFFFFD800  }
0x9d: {  	_ =	swait.ge @!p1 [sflag:s16], $0x50  }
0x9e: {  	[sflag:s16] =	ssyncset.done @!p1 $0x0  }
0x9f: {  	s19 =	simm.s32 @!p1 $0x280;
	s21 =	simm.s32 @!p1 $0x2C00;
	[sflag:s16] =	ssyncadd.s32 @!p1 $0xFFFFFFB0  }
0xa0: {  	[spmem:s2] =	stream.indirect.scatter.add.f32 @!p1 [tilespmem:s21], [sflag:$0x13], $0x80, s19, s18, $0xb8;
	[tilespmem:$0x1E880] =	vst v63  }
0xa1: {  	s16 =	simm.s32 @!p1 $0xA480;
	s21 =	simm.s32 @!p0 $0x7  }
0xa2: {  	[spmem:s3] =	stream.indirect.scatter.add.f32 @!p1 [tilespmem:s16], [sflag:$0x14], $0x1, s19, s18, $0xb8;
	[tilespmem:$0x1E880] =	vst v63  }
0xa3: {  	_ =	swait.ge @!p0 [sflag:s21], $0x50  }
0xa4: {  	[sflag:s21] =	ssyncset.done @!p0 $0x0  }
0xa5: {  	s19 =	simm.s32 @!p0 $0x8;
	[sflag:s21] =	ssyncadd.s32 @!p0 $0xFFFFFFB0  }
0xa6: {  	_ =	swait.ge @!p0 [sflag:s19], $0x50  }
0xa7: {  	s16 =	simm.s32 @!p0 $0x50;
	[sflag:s19] =	ssyncset.done @!p0 $0x0  }
0xa8: {  	s18 =	simm.s32 @!p0 $0x7C00;
	p1 =	por $0x0, $0x0;
	[sflag:s19] =	ssyncadd.s32 @!p0 $0xFFFFFFB0  }
0xa9: {  	[tilespmem:s18], [sflag:$0xF] =	stream.indirect.gather @!p0 [hbm4b:s1+s16], $0x80, s20, s16, $0xb8;
	[tilespmem:$0x1E880] =	vst v63  }
0xaa: {  	s21 =	simm.s32 @!p1 $0x11;
	s19 =	simm.s32 @!p0 $0xA580  }
0xab: {  	[tilespmem:s19], [sflag:$0x10] =	stream.indirect.gather @!p0 [hbm4b:s15+s16], $0x1, s20, s16, $0xb8;
	[tilespmem:$0x1E880] =	vst v63  }
0xac: {  	_ =	swait.ge @!p1 [sflag:s21], $0x2800  }
0xad: {  	[sflag:s21] =	ssyncset.done @!p1 $0x0  }
0xae: {  	s20 =	simm.s32 @!p1 $0x12;
	[sflag:s21] =	ssyncadd.s32 @!p1 $0xFFFFD800  }
0xaf: {  	_ =	swait.ge @!p1 [sflag:s20], $0x50  }
0xb0: {  	s21 =	rddreg [dreg:$0x7]  }
0xb1: {  	p2 =	por @!p1 $0x0, $0x0;
	[sflag:s20] =	ssyncset.done @!p1 $0x0;
	s13 =	sld [smem:$0x7F8]  }
0xb2: {  	[sflag:s20] =	ssyncadd.s32 @!p1 $0xFFFFFFB0;
	s20 =	simm.s32 @!p1 $0x0;
	s21 =	sadd.s32 @!p1 $0x0, s21  }
0xb3: {  	[tilespmem:s20], [sflag:$0x1] =	stream.linear.gather @!p1 [hbm4b:s21+s20], $0x50, $0x38;
	[tilespmem:$0x1E880] =	vst v63  }
0xb4: {  	p2 =	por p2, p1;
	s22 =	sshrl.u32 @!p1 s13, $0x3  }
0xb5: {  	s28 =	simm.s32 @!p2 $0xD;
	s21 =	sadd.s32 @!p1 s14, s22;
	s22 =	simm.s32 @!p1 $0x200  }
0xb6: {  	[tilespmem:s22], [sflag:$0x2] =	stream.linear.gather @!p1 [hbm4b:s21+s20], $0x50, $0x38;
	[tilespmem:$0x1E880] =	vst v63  }
0xb7: {  	_ =	swait.ge @!p2 [sflag:s28], $0x2800  }
0xb8: {  	[sflag:s28] =	ssyncset.done @!p2 $0x0  }
0xb9: {  	s21 =	simm.s32 @!p2 $0xE;
	[sflag:s28] =	ssyncadd.s32 @!p2 $0xFFFFD800  }
0xba: {  	_ =	swait.ge @!p2 [sflag:s21], $0x50  }
0xbb: {  	s22 =	simm.s32 @!p2 $0x5400;
	[sflag:s21] =	ssyncset.done @!p2 $0x0  }
0xbc: {  	s28 =	simm.s32 @!p2 $0x50;
	[sflag:s21] =	ssyncadd.s32 @!p2 $0xFFFFFFB0;
	s21 =	simm.s32 @!p2 $0x300  }
0xbd: {  	[spmem:s2] =	stream.indirect.scatter.add.f32 @!p2 [tilespmem:s22], [sflag:$0x15], $0x80, s21, s28, $0xb8;
	[tilespmem:$0x1E880] =	vst v63  }
0xbe: {  	s22 =	simm.s32 @!p2 $0xA500  }
0xbf: {  	[spmem:s3] =	stream.indirect.scatter.add.f32 @!p2 [tilespmem:s22], [sflag:$0x16], $0x1, s21, s28, $0xb8;
	[tilespmem:$0x1E880] =	vst v63  }
0xc0: {  	s21 =	simm.s32 @!p1 $0x1  }
0xc1: {  	_ =	swait.ge @!p1 [sflag:s21], $0x50  }
0xc2: {  	[sflag:s21] =	ssyncset.done @!p1 $0x0  }
0xc3: {  	s22 =	simm.s32 @!p1 $0x2;
	[sflag:s21] =	ssyncadd.s32 @!p1 $0xFFFFFFB0  }
0xc4: {  	_ =	swait.ge @!p1 [sflag:s22], $0x50  }
0xc5: {  	p2 =	por @!p1 $0x0, $0x0;
	s28 =	simm.s32 @!p1 $0x400;
	[sflag:s22] =	ssyncset.done @!p1 $0x0  }
0xc6: {  	p3 =	por p2, p1;
	s21 =	simm.s32 @!p1 $0x50;
	[sflag:s22] =	ssyncadd.s32 @!p1 $0xFFFFFFB0  }
0xc7: {  	[tilespmem:s28], [sflag:$0x9] =	stream.indirect.gather @!p1 [hbm4b:s1+s21], $0x80, s20, s21, $0xb8;
	[tilespmem:$0x1E880] =	vst v63  }
0xc8: {  	s22 =	simm.s32 @!p1 $0xA400;
	s28 =	simm.s32 @!p3 $0x13  }
0xc9: {  	[tilespmem:s22], [sflag:$0xA] =	stream.indirect.gather @!p1 [hbm4b:s15+s21], $0x1, s20, s21, $0xb8;
	[tilespmem:$0x1E880] =	vst v63  }
0xca: {  	_ =	swait.ge @!p3 [sflag:s28], $0x2800  }
0xcb: {  	[sflag:s28] =	ssyncset.done @!p3 $0x0  }
0xcc: {  	s20 =	simm.s32 @!p3 $0x14;
	[sflag:s28] =	ssyncadd.s32 @!p3 $0xFFFFD800  }
0xcd: {  	_ =	swait.ge @!p3 [sflag:s20], $0x50  }
0xce: {  	s21 =	rddreg [dreg:$0x6]  }
0xcf: {  	s28 =	simm.s32 @!p3 $0x80;
	[sflag:s20] =	ssyncset.done @!p3 $0x0;
	s22 =	rddreg [dreg:$0x5]  }
0xd0: {  	[sflag:s20] =	ssyncadd.s32 @!p3 $0xFFFFFFB0;
	s20 =	sadd.s32 @!p3 $0x0, s21;
	s21 =	simm.s32 @!p3 $0x0  }
0xd1: {  	[tilespmem:s28], [sflag:$0x3] =	stream.linear.gather @!p3 [hbm4b:s20+s21], $0x50, $0x38;
	[tilespmem:$0x1E880] =	vst v63  }
0xd2: {  	s22 =	sadd.s32 @!p3 $0x0, s22;
	s20 =	simm.s32 @!p3 $0x280;
	s28 =	simm.s32 @!p0 $0xF  }
0xd3: {  	[tilespmem:s20], [sflag:$0x4] =	stream.linear.gather @!p3 [hbm4b:s22+s21], $0x50, $0x38;
	[tilespmem:$0x1E880] =	vst v63  }
0xd4: {  	_ =	swait.ge @!p0 [sflag:s28], $0x2800  }
0xd5: {  	[sflag:s28] =	ssyncset.done @!p0 $0x0  }
0xd6: {  	p4 =	por @!p1 $0x0, $0x0;
	s20 =	simm.s32 @!p0 $0x10;
	[sflag:s28] =	ssyncadd.s32 @!p0 $0xFFFFD800  }
0xd7: {  	p2 =	por !p2, p1;
	p5 =	por @!p3 $0x1, $0x1;
	_ =	swait.ge @!p0 [sflag:s20], $0x50  }
0xd8: {  	p5 =	por @!p2 p4, p4;
	p3 =	por $0x0, $0x0;
	[sflag:s20] =	ssyncset.done @!p0 $0x0  }
0xd9: {  	p3 =	por @!p1 p5, p5;
	[sflag:s20] =	ssyncadd.s32 @!p0 $0xFFFFFFB0  }
0xda: {  	[spmem:s2] =	stream.indirect.scatter.add.f32 @!p0 [tilespmem:s18], [sflag:$0x17], $0x80, s10, s16, $0xb8;
	[tilespmem:$0x1E880] =	vst v63  }
0xdb: {  	s18 =	simm.s32 @p3 $0x3  }
0xdc: {  	[spmem:s3] =	stream.indirect.scatter.add.f32 @!p0 [tilespmem:s19], [sflag:$0x18], $0x1, s10, s16, $0xb8;
	[tilespmem:$0x1E880] =	vst v63  }
0xdd: {  	_ =	swait.ge @p3 [sflag:s18], $0x50  }
0xde: {  	[sflag:s18] =	ssyncset.done @p3 $0x0  }
0xdf: {  	s10 =	simm.s32 @p3 $0x4;
	[sflag:s18] =	ssyncadd.s32 @p3 $0xFFFFFFB0  }
0xe0: {  	_ =	swait.ge @p3 [sflag:s10], $0x50  }
0xe1: {  	s16 =	simm.s32 @p3 $0x80;
	[sflag:s10] =	ssyncset.done @p3 $0x0  }
0xe2: {  	s19 =	simm.s32 @p3 $0x2C00;
	s18 =	simm.s32 @p3 $0x50;
	[sflag:s10] =	ssyncadd.s32 @p3 $0xFFFFFFB0  }
0xe3: {  	[tilespmem:s19], [sflag:$0xB] =	stream.indirect.gather @p3 [hbm4b:s1+s18], $0x80, s16, s18, $0xb8;
	[tilespmem:$0x1E880] =	vst v63  }
0xe4: {  	s10 =	simm.s32 @p3 $0xA480;
	s19 =	simm.s32 @p3 $0x15  }
0xe5: {  	[tilespmem:s10], [sflag:$0xC] =	stream.indirect.gather @p3 [hbm4b:s15+s18], $0x1, s16, s18, $0xb8;
	[tilespmem:$0x1E880] =	vst v63  }
0xe6: {  	_ =	swait.ge @p3 [sflag:s19], $0x2800  }
0xe7: {  	s29 =	simm.s32 $0x7;
	[sflag:s19] =	ssyncset.done @p3 $0x0  }
0xe8: {  	s21 =	simm.s32 @p3 $0x300;
	s10 =	simm.s32 @p3 $0x16;
	[sflag:s19] =	ssyncadd.s32 @p3 $0xFFFFD800  }
0xe9: {  	s28 =	simm.s32 $0x28;
	s18 =	simm.s32 $0x0;
	_ =	swait.ge @p3 [sflag:s10], $0x50  }
0xea: {  	s19 =	simm.s32 @p3 $0x0;
	s16 =	rddreg [dreg:$0xb];
	[sflag:s10] =	ssyncset.done @p3 $0x0  }
0xeb: {  	[sflag:s10] =	ssyncadd.s32 @p3 $0xFFFFFFB0;
	s10 =	sadd.s32 @p3 $0x0, s16;
	s16 =	simm.s32 @p3 $0x100  }
0xec: {  	[tilespmem:s16], [sflag:$0x5] =	stream.linear.gather @p3 [hbm4b:s10+s19], $0x50, $0x38;
	[tilespmem:$0x1E880] =	vst v63  }
0xed: {  	s20 =	rddreg [dreg:$0xa];
	s10 =	sadd.s32 $0x140, s13;
	s16 =	simm.s32 $0x1  }
.LBB2_2:
0xee: {  	s20 =	sadd.s32 @p3 s18, s20  }
0xef: {  	[tilespmem:s21], [sflag:$0x6] =	stream.linear.gather @p3 [hbm4b:s20+s19], $0x50, $0x38;
	[tilespmem:$0x1E880] =	vst v63  }
0xf0: {  	_ =	swait.ge [sflag:s30], $0x2800  }
0xf1: {  	[sflag:s30] =	ssyncset.done $0x0  }
0xf2: {  	[sflag:s30] =	ssyncadd.s32 $0xFFFFD800  }
0xf3: {  	_ =	swait.ge [sflag:s11], $0x50  }
0xf4: {  	[sflag:s11] =	ssyncset.done $0x0  }
0xf5: {  	p2 =	sgt.u32 s16, $0x1E;
	[sflag:s11] =	ssyncadd.s32 $0xFFFFFFB0  }
0xf6: {  	[spmem:s2] =	stream.indirect.scatter.add.f32 [tilespmem:s7], [sflag:$0x11], $0x80, s9, s17, $0xb8;
	[tilespmem:$0x1E880] =	vst v63  }
0xf7: {  	s19 =	simm.s32 @!p2 $0x5  }
0xf8: {  	[spmem:s3] =	stream.indirect.scatter.add.f32 [tilespmem:s26], [sflag:$0x12], $0x1, s9, s17, $0xb8;
	[tilespmem:$0x1E880] =	vst v63  }
0xf9: {  	_ =	swait.ge @!p2 [sflag:s19], $0x50  }
0xfa: {  	p1 =	sgt.u32 s29, $0x7C;
	[sflag:s19] =	ssyncset.done @!p2 $0x0  }
0xfb: {  	s18 =	smov.u32 s28;
	s20 =	simm.s32 @!p2 $0x6;
	[sflag:s19] =	ssyncadd.s32 @!p2 $0xFFFFFFB0  }
0xfc: {  	p3 =	seq.s32 @!p1 s18, $0x0;
	_ =	swait.ge @!p2 [sflag:s20], $0x50  }
0xfd: {  	s21 =	simm.s32 @!p2 $0x50;
	s22 =	simm.s32 @!p2 $0x100;
	[sflag:s20] =	ssyncset.done @!p2 $0x0  }
0xfe: {  	p3 =	por p3, p1;
	s19 =	simm.s32 @!p2 $0x5400;
	[sflag:s20] =	ssyncadd.s32 @!p2 $0xFFFFFFB0  }
0xff: {  	[tilespmem:s19], [sflag:$0xD] =	stream.indirect.gather @!p2 [hbm4b:s1+s21], $0x80, s22, s21, $0xb8;
	[tilespmem:$0x1E880] =	vst v63  }
0x100: {  	s20 =	simm.s32 @!p2 $0xA500;
	s19 =	simm.s32 @!p3 $0x17  }
0x101: {  	[tilespmem:s20], [sflag:$0xE] =	stream.indirect.gather @!p2 [hbm4b:s15+s21], $0x1, s22, s21, $0xb8;
	[tilespmem:$0x1E880] =	vst v63  }
0x102: {  	_ =	swait.ge @!p3 [sflag:s19], $0x2800  }
0x103: {  	[sflag:s19] =	ssyncset.done @!p3 $0x0  }
0x104: {  	s20 =	simm.s32 @!p3 $0x18;
	[sflag:s19] =	ssyncadd.s32 @!p3 $0xFFFFD800  }
0x105: {  	_ =	swait.ge @!p3 [sflag:s20], $0x50  }
0x106: {  	s22 =	rddreg [dreg:$0x9]  }
0x107: {  	s24 =	simm.s32 @!p1 $0x180;
	[sflag:s20] =	ssyncset.done @!p3 $0x0;
	s23 =	rddreg [dreg:$0x8]  }
0x108: {  	[sflag:s20] =	ssyncadd.s32 @!p3 $0xFFFFFFB0;
	s20 =	sadd.s32 @!p1 s18, s22;
	s22 =	simm.s32 @!p1 $0x0  }
0x109: {  	[tilespmem:s24], [sflag:$0x7] =	stream.linear.gather @!p1 [hbm4b:s20+s22], $0x50, $0x38;
	[tilespmem:$0x1E880] =	vst v63  }
0x10a: {  	s19 =	simm.s32 @!p1 $0x380;
	s20 =	sadd.s32 @!p1 s18, s23;
	s23 =	simm.s32 @!p2 $0xB  }
0x10b: {  	[tilespmem:s19], [sflag:$0x8] =	stream.linear.gather @!p1 [hbm4b:s20+s22], $0x50, $0x38;
	[tilespmem:$0x1E880] =	vst v63  }
0x10c: {  	_ =	swait.ge @!p2 [sflag:s23], $0x2800  }
0x10d: {  	[sflag:s23] =	ssyncset.done @!p2 $0x0  }
0x10e: {  	s20 =	simm.s32 @!p2 $0xC;
	[sflag:s23] =	ssyncadd.s32 @!p2 $0xFFFFD800  }
0x10f: {  	_ =	swait.ge @!p2 [sflag:s20], $0x50  }
0x110: {  	[sflag:s20] =	ssyncset.done @!p2 $0x0  }
0x111: {  	s22 =	simm.s32 @!p2 $0x280;
	s23 =	simm.s32 @!p2 $0x2C00;
	[sflag:s20] =	ssyncadd.s32 @!p2 $0xFFFFFFB0  }
0x112: {  	[spmem:s2] =	stream.indirect.scatter.add.f32 @!p2 [tilespmem:s23], [sflag:$0x13], $0x80, s22, s21, $0xb8;
	[tilespmem:$0x1E880] =	vst v63  }
0x113: {  	s20 =	simm.s32 @!p2 $0xA480;
	s23 =	simm.s32 @!p1 $0x7  }
0x114: {  	[spmem:s3] =	stream.indirect.scatter.add.f32 @!p2 [tilespmem:s20], [sflag:$0x14], $0x1, s22, s21, $0xb8;
	[tilespmem:$0x1E880] =	vst v63  }
0x115: {  	_ =	swait.ge @!p1 [sflag:s23], $0x50  }
0x116: {  	[sflag:s23] =	ssyncset.done @!p1 $0x0  }
0x117: {  	s21 =	simm.s32 @!p1 $0x8;
	[sflag:s23] =	ssyncadd.s32 @!p1 $0xFFFFFFB0  }
0x118: {  	_ =	swait.ge @!p1 [sflag:s21], $0x50  }
0x119: {  	s20 =	simm.s32 @!p1 $0x50;
	[sflag:s21] =	ssyncset.done @!p1 $0x0  }
0x11a: {  	s22 =	simm.s32 @!p1 $0x7C00;
	p2 =	seq.s32 s18, $0x4D8;
	[sflag:s21] =	ssyncadd.s32 @!p1 $0xFFFFFFB0  }
0x11b: {  	[tilespmem:s22], [sflag:$0xF] =	stream.indirect.gather @!p1 [hbm4b:s1+s20], $0x80, s24, s20, $0xb8;
	[tilespmem:$0x1E880] =	vst v63  }
0x11c: {  	s23 =	simm.s32 @!p2 $0x11;
	s21 =	simm.s32 @!p1 $0xA580  }
0x11d: {  	[tilespmem:s21], [sflag:$0x10] =	stream.indirect.gather @!p1 [hbm4b:s15+s20], $0x1, s24, s20, $0xb8;
	[tilespmem:$0x1E880] =	vst v63  }
0x11e: {  	_ =	swait.ge @!p2 [sflag:s23], $0x2800  }
0x11f: {  	s25 =	sshrl.u32 @!p2 s10, $0x3;
	[sflag:s23] =	ssyncset.done @!p2 $0x0  }
0x120: {  	s24 =	sadd.s32 @!p2 s14, s25;
	s25 =	simm.s32 @!p2 $0x12;
	[sflag:s23] =	ssyncadd.s32 @!p2 $0xFFFFD800  }
0x121: {  	p5 =	sgt.u32 @!p2 s16, $0x1E;
	_ =	swait.ge @!p2 [sflag:s25], $0x50  }
0x122: {  	p5 =	por p5, p2;
	s23 =	rddreg [dreg:$0x7];
	[sflag:s25] =	ssyncset.done @!p2 $0x0  }
0x123: {  	[sflag:s25] =	ssyncadd.s32 @!p2 $0xFFFFFFB0;
	s25 =	simm.s32 @!p2 $0x0;
	s23 =	sadd.s32 @!p2 s18, s23  }
0x124: {  	[tilespmem:s25], [sflag:$0x1] =	stream.linear.gather @!p2 [hbm4b:s23+s25], $0x50, $0x38;
	[tilespmem:$0x1E880] =	vst v63  }
0x125: {  	s31 =	simm.s32 @!p2 $0x200;
	s23 =	simm.s32 @!p5 $0xD  }
0x126: {  	[tilespmem:s31], [sflag:$0x2] =	stream.linear.gather @!p2 [hbm4b:s24+s25], $0x50, $0x38;
	[tilespmem:$0x1E880] =	vst v63  }
0x127: {  	_ =	swait.ge @!p5 [sflag:s23], $0x2800  }
0x128: {  	[sflag:s23] =	ssyncset.done @!p5 $0x0  }
0x129: {  	s24 =	simm.s32 @!p5 $0xE;
	[sflag:s23] =	ssyncadd.s32 @!p5 $0xFFFFD800  }
0x12a: {  	_ =	swait.ge @!p5 [sflag:s24], $0x50  }
0x12b: {  	s13 =	simm.s32 @!p5 $0x300;
	[sflag:s24] =	ssyncset.done @!p5 $0x0  }
0x12c: {  	s31 =	simm.s32 @!p5 $0x50;
	s23 =	simm.s32 @!p5 $0x5400;
	[sflag:s24] =	ssyncadd.s32 @!p5 $0xFFFFFFB0  }
0x12d: {  	[spmem:s2] =	stream.indirect.scatter.add.f32 @!p5 [tilespmem:s23], [sflag:$0x15], $0x80, s13, s31, $0xb8;
	[tilespmem:$0x1E880] =	vst v63  }
0x12e: {  	s24 =	simm.s32 @!p5 $0xA500;
	s23 =	simm.s32 @!p2 $0x1  }
0x12f: {  	[spmem:s3] =	stream.indirect.scatter.add.f32 @!p5 [tilespmem:s24], [sflag:$0x16], $0x1, s13, s31, $0xb8;
	[tilespmem:$0x1E880] =	vst v63  }
0x130: {  	_ =	swait.ge @!p2 [sflag:s23], $0x50  }
0x131: {  	[sflag:s23] =	ssyncset.done @!p2 $0x0  }
0x132: {  	s13 =	simm.s32 @!p2 $0x2;
	[sflag:s23] =	ssyncadd.s32 @!p2 $0xFFFFFFB0  }
0x133: {  	_ =	swait.ge @!p2 [sflag:s13], $0x50  }
0x134: {  	p4 =	sgt.u32 @!p2 s16, $0x1D;
	s24 =	simm.s32 @!p2 $0x400;
	[sflag:s13] =	ssyncset.done @!p2 $0x0  }
0x135: {  	p5 =	por p4, p2;
	s23 =	simm.s32 @!p2 $0x50;
	[sflag:s13] =	ssyncadd.s32 @!p2 $0xFFFFFFB0  }
0x136: {  	[tilespmem:s24], [sflag:$0x9] =	stream.indirect.gather @!p2 [hbm4b:s1+s23], $0x80, s25, s23, $0xb8;
	[tilespmem:$0x1E880] =	vst v63  }
0x137: {  	s13 =	simm.s32 @!p2 $0xA400;
	s24 =	simm.s32 @!p5 $0x13  }
0x138: {  	[tilespmem:s13], [sflag:$0xA] =	stream.indirect.gather @!p2 [hbm4b:s15+s23], $0x1, s25, s23, $0xb8;
	[tilespmem:$0x1E880] =	vst v63  }
0x139: {  	_ =	swait.ge @!p5 [sflag:s24], $0x2800  }
0x13a: {  	[sflag:s24] =	ssyncset.done @!p5 $0x0  }
0x13b: {  	s13 =	simm.s32 @!p5 $0x14;
	[sflag:s24] =	ssyncadd.s32 @!p5 $0xFFFFD800  }
0x13c: {  	s31 =	simm.s32 @!p5 $0x80;
	_ =	swait.ge @!p5 [sflag:s13], $0x50  }
0x13d: {  	s25 =	simm.s32 @!p5 $0x0;
	s23 =	rddreg [dreg:$0x6];
	[sflag:s13] =	ssyncset.done @!p5 $0x0  }
0x13e: {  	s24 =	rddreg [dreg:$0x5];
	[sflag:s13] =	ssyncadd.s32 @!p5 $0xFFFFFFB0;
	s23 =	sadd.s32 @!p5 s18, s23  }
0x13f: {  	[tilespmem:s31], [sflag:$0x3] =	stream.linear.gather @!p5 [hbm4b:s23+s25], $0x50, $0x38;
	[tilespmem:$0x1E880] =	vst v63  }
0x140: {  	s13 =	simm.s32 @!p5 $0x280;
	s23 =	sadd.s32 @!p5 s18, s24;
	s24 =	simm.s32 @!p1 $0xF  }
0x141: {  	[tilespmem:s13], [sflag:$0x4] =	stream.linear.gather @!p5 [hbm4b:s23+s25], $0x50, $0x38;
	[tilespmem:$0x1E880] =	vst v63  }
0x142: {  	_ =	swait.ge @!p1 [sflag:s24], $0x2800  }
0x143: {  	[sflag:s24] =	ssyncset.done @!p1 $0x0  }
0x144: {  	p6 =	por @!p2 $0x0, $0x0;
	s13 =	simm.s32 @!p1 $0x10;
	[sflag:s24] =	ssyncadd.s32 @!p1 $0xFFFFD800  }
0x145: {  	p3 =	por !p4, p2;
	p4 =	por @!p5 $0x1, $0x1;
	_ =	swait.ge @!p1 [sflag:s13], $0x50  }
0x146: {  	p4 =	por @!p3 p6, p6;
	p3 =	por $0x0, $0x0;
	[sflag:s13] =	ssyncset.done @!p1 $0x0  }
0x147: {  	p3 =	por @!p2 p4, p4;
	[sflag:s13] =	ssyncadd.s32 @!p1 $0xFFFFFFB0  }
0x148: {  	[spmem:s2] =	stream.indirect.scatter.add.f32 @!p1 [tilespmem:s22], [sflag:$0x17], $0x80, s19, s20, $0xb8;
	[tilespmem:$0x1E880] =	vst v63  }
0x149: {  	s13 =	simm.s32 @p3 $0x3  }
0x14a: {  	[spmem:s3] =	stream.indirect.scatter.add.f32 @!p1 [tilespmem:s21], [sflag:$0x18], $0x1, s19, s20, $0xb8;
	[tilespmem:$0x1E880] =	vst v63  }
0x14b: {  	_ =	swait.ge @p3 [sflag:s13], $0x50  }
0x14c: {  	[sflag:s13] =	ssyncset.done @p3 $0x0  }
0x14d: {  	s19 =	simm.s32 @p3 $0x4;
	[sflag:s13] =	ssyncadd.s32 @p3 $0xFFFFFFB0  }
0x14e: {  	_ =	swait.ge @p3 [sflag:s19], $0x50  }
0x14f: {  	s20 =	simm.s32 @p3 $0x50;
	[sflag:s19] =	ssyncset.done @p3 $0x0  }
0x150: {  	s21 =	simm.s32 @p3 $0x2C00;
	s13 =	simm.s32 @p3 $0x80;
	[sflag:s19] =	ssyncadd.s32 @p3 $0xFFFFFFB0  }
0x151: {  	[tilespmem:s21], [sflag:$0xB] =	stream.indirect.gather @p3 [hbm4b:s1+s20], $0x80, s13, s20, $0xb8;
	[tilespmem:$0x1E880] =	vst v63  }
0x152: {  	s19 =	simm.s32 @p3 $0xA480;
	s21 =	simm.s32 @p3 $0x15  }
0x153: {  	[tilespmem:s19], [sflag:$0xC] =	stream.indirect.gather @p3 [hbm4b:s15+s20], $0x1, s13, s20, $0xb8;
	[tilespmem:$0x1E880] =	vst v63  }
0x154: {  	_ =	swait.ge @p3 [sflag:s21], $0x2800  }
0x155: {  	s28 =	sadd.s32 $0x28, s28;
	s29 =	sadd.s32 $0x4, s29;
	[sflag:s21] =	ssyncset.done @p3 $0x0  }
0x156: {  	p0 =	sne.s32 s28, $0x500;
	s13 =	simm.s32 @p3 $0x16;
	[sflag:s21] =	ssyncadd.s32 @p3 $0xFFFFD800  }
.Ltmp0:
0x157: {  	s10 =	sadd.s32 $0x140, s10;
	_ =	swait.ge @p3 [sflag:s13], $0x50;
	(pc) =	sbr.rel @p0 .LBB2_2-.Ltmp0, $4  }
0x158: {  	s16 =	sadd.s32 $0x1, s16;
	s22 =	simm.s32 @p3 $0x100;
	s19 =	rddreg [dreg:$0xb]  }
0x159: {  	s21 =	simm.s32 @p3 $0x300;
	[sflag:s13] =	ssyncset.done @p3 $0x0;
	s20 =	rddreg [dreg:$0xa]  }
0x15a: {  	[sflag:s13] =	ssyncadd.s32 @p3 $0xFFFFFFB0;
	s13 =	sadd.s32 @p3 s18, s19;
	s19 =	simm.s32 @p3 $0x0  }
0x15b: {  	[tilespmem:s22], [sflag:$0x5] =	stream.linear.gather @p3 [hbm4b:s13+s19], $0x50, $0x38;
	[tilespmem:$0x1E880] =	vst v63  }
0x15c: {  	s10 =	sadd.s32 @p3 s18, s20;
	s16 =	simm.s32 $0x11  }
0x15d: {  	[tilespmem:s21], [sflag:$0x6] =	stream.linear.gather @p3 [hbm4b:s10+s19], $0x50, $0x38;
	[tilespmem:$0x1E880] =	vst v63  }
0x15e: {  	_ =	swait.ge [sflag:s16], $0x2800  }
0x15f: {  	[sflag:s16] =	ssyncset.done $0x0  }
0x160: {  	s18 =	simm.s32 $0x12;
	[sflag:s16] =	ssyncadd.s32 $0xFFFFD800  }
0x161: {  	_ =	swait.ge [sflag:s18], $0x50  }
0x162: {  	[sflag:s18] =	ssyncset.done $0x0  }
0x163: {  	s19 =	simm.s32 $0x13;
	[sflag:s18] =	ssyncadd.s32 $0xFFFFFFB0  }
0x164: {  	_ =	swait.ge [sflag:s19], $0x2800  }
0x165: {  	[sflag:s19] =	ssyncset.done $0x0  }
0x166: {  	s20 =	simm.s32 $0x14;
	[sflag:s19] =	ssyncadd.s32 $0xFFFFD800  }
0x167: {  	_ =	swait.ge [sflag:s20], $0x50  }
0x168: {  	[sflag:s20] =	ssyncset.done $0x0  }
0x169: {  	s21 =	simm.s32 $0x15;
	[sflag:s20] =	ssyncadd.s32 $0xFFFFFFB0  }
0x16a: {  	_ =	swait.ge [sflag:s21], $0x2800  }
0x16b: {  	[sflag:s21] =	ssyncset.done $0x0  }
0x16c: {  	s22 =	simm.s32 $0x16;
	[sflag:s21] =	ssyncadd.s32 $0xFFFFD800  }
0x16d: {  	_ =	swait.ge [sflag:s22], $0x50  }
0x16e: {  	[sflag:s22] =	ssyncset.done $0x0  }
0x16f: {  	s23 =	simm.s32 $0x17;
	[sflag:s22] =	ssyncadd.s32 $0xFFFFFFB0  }
0x170: {  	_ =	swait.ge [sflag:s23], $0x2800  }
0x171: {  	[sflag:s23] =	ssyncset.done $0x0  }
0x172: {  	s24 =	simm.s32 $0x18;
	[sflag:s23] =	ssyncadd.s32 $0xFFFFD800  }
0x173: {  	_ =	swait.ge [sflag:s24], $0x50  }
0x174: {  	[sflag:s24] =	ssyncset.done $0x0  }
0x175: {  	[sflag:s24] =	ssyncadd.s32 $0xFFFFFFB0  }
0x176: {  	[bflag:$0x0] =	sbarrier.arrive $0xFFFF  }
0x177: {  	s19 =	rddreg [dreg:$0x16]  }
0x178: {  	s6 =	sor.u32 $0x1C19, s6;
	s13 =	rddreg [dreg:$0xc];
	s25 =	sshrl.u32 s19, $0x3  }
0x179: {  	[hbm:s13], [sflag:s6] =	dma.local [spmem:s25], $0x500  }
0x17a: {  	s20 =	rddreg [dreg:$0x17]  }
0x17b: {  	s13 =	rddreg [dreg:$0xd];
	s28 =	sshrl.u32 s20, $0x3  }
0x17c: {  	[hbm:s13], [sflag:s6] =	dma.local [spmem:s28], $0x500  }
0x17d: {  	s21 =	rddreg [dreg:$0x18]  }
0x17e: {  	s13 =	rddreg [dreg:$0xe];
	s29 =	sshrl.u32 s21, $0x3  }
0x17f: {  	[hbm:s13], [sflag:s6] =	dma.local [spmem:s29], $0x500  }
0x180: {  	s22 =	rddreg [dreg:$0x19]  }
0x181: {  	s13 =	rddreg [dreg:$0xf];
	s31 =	sshrl.u32 s22, $0x3  }
0x182: {  	[hbm:s13], [sflag:s6] =	dma.local [spmem:s31], $0x500  }
0x183: {  	s23 =	rddreg [dreg:$0x1a]  }
0x184: {  	s13 =	rddreg [dreg:$0x10];
	s16 =	sshrl.u32 s23, $0x3  }
0x185: {  	[hbm:s13], [sflag:s6] =	dma.local [spmem:s16], $0x500  }
0x186: {  	s24 =	rddreg [dreg:$0x1b]  }
0x187: {  	s13 =	rddreg [dreg:$0x11];
	s18 =	sshrl.u32 s24, $0x3  }
0x188: {  	[hbm:s13], [sflag:s6] =	dma.local [spmem:s18], $0x500  }
0x189: {  	s16 =	rddreg [dreg:$0x1c]  }
0x18a: {  	s13 =	rddreg [dreg:$0x12];
	s25 =	sshrl.u32 s16, $0x3  }
0x18b: {  	[hbm:s13], [sflag:s6] =	dma.local [spmem:s25], $0x500  }
0x18c: {  	s25 =	rddreg [dreg:$0x1d]  }
0x18d: {  	s13 =	rddreg [dreg:$0x13];
	s28 =	sshrl.u32 s25, $0x3  }
0x18e: {  	[hbm:s13], [sflag:s6] =	dma.local [spmem:s28], $0x500  }
0x18f: {  	s10 =	sld [smem:$0x7F6];
	_ =	sdelay $0x1  }
0x190: {  	s29 =	simm.s32 $0x20;
	s18 =	simm.s32 $0x1;
	s28 =	simm.s32 $0x10  }
0x191: {  	[hbm:s10@s29], [sflag:s6] =	dma.strided [spmem:s5@s28], $0x50, s18, $0x10   }
0x192: {  	_ =	swait.ge [sflag:s0], $0x500  }
0x193: {  	[sflag:s0] =	ssyncset.done $0x0  }
0x194: {  	[sflag:s0] =	ssyncadd.s32 $0xFFFFFB00  }
0x195: {  	_ =	swait.ge [sflag:s0], $0x500  }
0x196: {  	[sflag:s0] =	ssyncset.done $0x0  }
0x197: {  	[sflag:s0] =	ssyncadd.s32 $0xFFFFFB00  }
0x198: {  	_ =	swait.ge [sflag:s0], $0x500  }
0x199: {  	[sflag:s0] =	ssyncset.done $0x0  }
0x19a: {  	[sflag:s0] =	ssyncadd.s32 $0xFFFFFB00  }
0x19b: {  	_ =	swait.ge [sflag:s0], $0x500  }
0x19c: {  	[sflag:s0] =	ssyncset.done $0x0  }
0x19d: {  	[sflag:s0] =	ssyncadd.s32 $0xFFFFFB00  }
0x19e: {  	_ =	swait.ge [sflag:s0], $0x500  }
0x19f: {  	[sflag:s0] =	ssyncset.done $0x0  }
0x1a0: {  	[sflag:s0] =	ssyncadd.s32 $0xFFFFFB00  }
0x1a1: {  	_ =	swait.ge [sflag:s0], $0x500  }
0x1a2: {  	[sflag:s0] =	ssyncset.done $0x0  }
0x1a3: {  	[sflag:s0] =	ssyncadd.s32 $0xFFFFFB00  }
0x1a4: {  	_ =	swait.ge [sflag:s0], $0x500  }
0x1a5: {  	[sflag:s0] =	ssyncset.done $0x0  }
0x1a6: {  	[sflag:s0] =	ssyncadd.s32 $0xFFFFFB00  }
0x1a7: {  	_ =	swait.ge [sflag:s0], $0x500  }
0x1a8: {  	[sflag:s0] =	ssyncset.done $0x0  }
0x1a9: {  	[sflag:s0] =	ssyncadd.s32 $0xFFFFFB00  }
0x1aa: {  	_ =	swait.ge [sflag:s0], $0x50  }
0x1ab: {  	s31 =	sld [smem:$0x7F7];
	_ =	sdelay $0x1  }
0x1ac: {  	s4 =	sadd.s32 $0x1, s4  }
0x1ad: {  	p0 =	sne.s32 s4, s31  }
.Ltmp1:
0x1ae: {  	_ = 	snop;
	(pc) =	sbr.rel @p0 .LBB2_1-.Ltmp1, $3  }
0x1af: {  	_ =	sdelay $0x1  }
0x1b0: {  	[sflag:s0] =	ssyncset.done $0x0  }
0x1b1: {  	[sflag:s0] =	ssyncadd.s32 $0xFFFFFFB0  }
0x1b2: {  	_ =	sfence.sel $0x180000  }
0x1b3: {  	[bflag:$0x0] =	sbarrier.arrive $0xFFFF  }
0x1b4: {  	_ =	strace $0x90000047  }
0x1b5: {  	s0 =	stileid.u32;
	[bflag:$0x2] =	sbarrier.arrive $0xFFFF  }
0x1b6: {  	p0 =	sne.s32 s0, $0x0;
	s0 =	rddreg [dreg:$0x4]  }
0x1b7: {  	s0 =	sadd.s32 @!p0 $0x100000, s0  }
0x1b8: {  	[sflag:s0] =	ssyncadd.tile.s32 @!p0 $0x1;
	_ =	shalt  }
.Lfunc_end2:
_tile_overlayer_lowered:
.L_overlay_start_2:
0x1b9: {  	(tag) =	ssettag $0x2  }
0x1ba: {  	s0 =	rddreg [dreg:$0x0];
	s2 =	stileid.u32  }
0x1bb: {  	s1 =	rddreg [dreg:$0x1];
	p0 =	sne.s32 s2, $0x0  }
0x1bc: {  	s3 =	rddreg [dreg:$0x2];
	[bflag:$0x3] =	sbarrier.arrive $0xFFFF;
	s2 =	simm.s32 @!p0 $0x1C1A  }
0x1bd: {  	[timem:s3], [sflag:s2] =	dma.local @!p0 [hbm:s0], s1  }
0x1be: {  	s0 =	simm.s32 @!p0 $0x1A  }
0x1bf: {  	_ =	swait.ge @!p0 [sflag:s0], s1  }
0x1c0: {  	s1 =	ssub.s32 @!p0 $0x0, s1;
	[sflag:s0] =	ssyncset.done @!p0 $0x0  }
0x1c1: {  	[sflag:s0] =	ssyncadd.s32 @!p0 s1  }
0x1c2: {  	[bflag:$0x3] =	sbarrier.arrive $0xFFFF  }
0x1c3: {  	_ =	shalt  }

</sc_bundles>
